<compile_context>
chip_gen: v7x
topology: tpu7x:2x2x1
jax: 0.10.2.dev20260603
libtpu: 0.0.44.dev20260713+nightly
codegen_flags: <defaults>
</compile_context>

<pallas_src>
import functools

import jax
import jax.numpy as jnp
from jax import lax
from jax.experimental import pallas as pl
from jax.experimental.pallas import tpu as pltpu
from jax.experimental.pallas import tpu_sc as plsc

_NUM_WORKERS = 32


@functools.lru_cache(maxsize=None)
def _make_gather(N, T, V, D):
    TB = T // 8
    NB = N // 128
    blocks_per_w = (TB * NB) // _NUM_WORKERS
    mesh = plsc.VectorSubcoreMesh(core_axis_name="c", subcore_axis_name="s")

    @functools.partial(
        pl.kernel,
        mesh=mesh,
        out_type=jax.ShapeDtypeStruct((T, N, D), jnp.float32),
        scratch_types=[
            pltpu.VMEM((8, 128), jnp.int32),
            pltpu.VMEM((1024, D), jnp.float32),
            pltpu.SemaphoreType.DMA,
        ],
        compiler_params=pltpu.CompilerParams(use_tc_tiling_on_sc=False),
    )
    def gather_kernel(idx_hbm, table_hbm, out_hbm, idx_v, rows_v, sem):
        wid = lax.axis_index("s") * 2 + lax.axis_index("c")
        base = wid * blocks_per_w

        def block_body(b, carry):
            blk = base + b
            tb = blk // NB
            nb = blk % NB
            n0 = nb * 128
            pltpu.sync_copy(idx_hbm.at[tb, nb], idx_v)
            for tr in range(8):
                pltpu.async_copy(table_hbm.at[idx_v.at[tr]],
                                 rows_v.at[pl.ds(tr * 128, 128)], sem)
            for tr in range(8):
                pltpu.make_async_copy(table_hbm.at[idx_v.at[tr]],
                                      rows_v.at[pl.ds(tr * 128, 128)],
                                      sem).wait()
            for tr in range(8):
                pltpu.sync_copy(rows_v.at[pl.ds(tr * 128, 128)],
                                out_hbm.at[tb * 8 + tr, pl.ds(n0, 128), :])
            return carry

        lax.fori_loop(0, blocks_per_w, block_body, 0)

    return gather_kernel


def kernel(token_ids, embedding):
    V, D = embedding.shape
    N, T = token_ids.shape
    idx_tiles = (token_ids.astype(jnp.int32).T
                 .reshape(T // 8, 8, N // 128, 128)
                 .transpose(0, 2, 1, 3))
    x_t = _make_gather(N, T, V, D)(idx_tiles, embedding)
    return x_t.transpose(1, 0, 2)

# --- scband reference (transcript-rebuilt; emitter-appended) ---
"""Pipeline reference for scband-embedding-30485677867671 (READ-ONLY COPY).

The authoritative reference and input builder live on the scoring server;
editing this copy changes nothing except your own understanding.
"""

import jax, jax.numpy as jnp
import numpy as np

NUM_EMBEDDING = 1000000
EMBEDDING_DIM = 32

def setup_inputs(seed: int = 0) -> dict:
    key = jax.random.key(seed)
    k_idx, k_tab = jax.random.split(key)
    token_ids = jax.random.randint(k_idx, (16384, 200), 0, NUM_EMBEDDING, dtype=jnp.int64 if jax.config.jax_enable_x64 else jnp.int32)
    # truncated normal init like torch.nn.init.trunc_normal_ (std=1, trunc at +/-2)
    embedding = jax.random.truncated_normal(k_tab, -2.0, 2.0, (NUM_EMBEDDING, EMBEDDING_DIM), dtype=jnp.float32)
    return {"token_ids": token_ids, "embedding": embedding}

def reference(token_ids, embedding):
    # faithful to torch: self.embedding[token_ids] -> gather rows
    return jnp.take(embedding, token_ids, axis=0)

if __name__ == "__main__":
    import jax
    _d = setup_inputs()
    print(jax.jit(kernel)(*tuple(_d.values())))

</pallas_src>

<mosaic_0001>
#map = affine_map<(d0, d1) -> (0, 0, 0, 0)>
#map1 = affine_map<(d0, d1) -> (0, 0)>
#map2 = affine_map<(d0, d1) -> (0, 0, 0)>
module attributes {stable_mosaic.version = 14 : i64} {
  func.func @gather_kernel(%arg0: i32, %arg1: i32, %arg2: memref<25x128x8x128xi32, #tpu.memory_space<hbm>>, %arg3: memref<1000000x32xf32, #tpu.memory_space<hbm>>, %arg4: memref<200x16384x32xf32, #tpu.memory_space<hbm>>, %arg5: memref<8x128xi32, #tpu.memory_space<vmem>>, %arg6: memref<1024x32xf32, #tpu.memory_space<vmem>>, %arg7: memref<!tpu.dma_semaphore, #tpu.memory_space<semaphore_mem>>) attributes {dimension_semantics = [#tpu.dimension_semantics<core_parallel>, #tpu.dimension_semantics<subcore_parallel>], iteration_bounds = array<i64: 2, 16>, scalar_prefetch = 0 : i64, scratch_operands = 3 : i64, tpu.core_type = #tpu.core_type<sc_vector_subcore>, window_params = [{transform_indices = #map}, {transform_indices = #map1}, {transform_indices = #map2}]} {
    %mul3A = arith.constant 2 : i32
    %mul3A_0 = arith.muli %arg1, %mul3A : i32
    %add3A = arith.addi %mul3A_0, %arg0 : i32
    %mul3A_1 = arith.constant 100 : i32
    %mul3A_2 = arith.muli %add3A, %mul3A_1 : i32
    %scan3A = arith.constant 0 : i32
    %scan3A_3 = arith.constant 0 : i32
    %scan3A_4 = arith.constant 100 : i32
    %scan3A_5 = arith.addi %scan3A_3, %scan3A_4 : i32
    %scan3A_6 = arith.constant 1 : i32
    scf.for %scan3A_8 = %scan3A_3 to %scan3A_5 step %scan3A_6  : i32 {
      %add3A_9 = arith.addi %mul3A_2, %scan3A_8 : i32
      %jit3A = arith.constant 128 : i32
      %div3A = arith.divsi %add3A_9, %jit3A : i32
      %sign3A = arith.constant 0 : i32
      %sign3A_10 = arith.cmpi sgt, %add3A_9, %sign3A : i32
      %sign3A_11 = arith.extui %sign3A_10 : i1 to i32
      %sign3A_12 = arith.constant 0 : i32
      %sign3A_13 = arith.cmpi slt, %add3A_9, %sign3A_12 : i32
      %sign3A_14 = arith.extui %sign3A_13 : i1 to i32
      %sign3A_15 = arith.subi %sign3A_11, %sign3A_14 : i32
      %sign3A_16 = arith.constant 0 : i32
      %sign3A_17 = arith.cmpi sgt, %jit3A, %sign3A_16 : i32
      %sign3A_18 = arith.extui %sign3A_17 : i1 to i32
      %sign3A_19 = arith.constant 0 : i32
      %sign3A_20 = arith.cmpi slt, %jit3A, %sign3A_19 : i32
      %sign3A_21 = arith.extui %sign3A_20 : i1 to i32
      %sign3A_22 = arith.subi %sign3A_18, %sign3A_21 : i32
      %ne3A = arith.cmpi ne, %sign3A_15, %sign3A_22 : i32
      %rem3A = arith.remsi %add3A_9, %jit3A : i32
      %ne3A_23 = arith.constant 0 : i32
      %ne3A_24 = arith.cmpi ne, %rem3A, %ne3A_23 : i32
      %and3A = arith.andi %ne3A, %ne3A_24 : i1
      %sub3A = arith.constant 1 : i32
      %sub3A_25 = arith.subi %div3A, %sub3A : i32
      %select_n3A = arith.select %and3A, %sub3A_25, %div3A : i32
      %jit3A_26 = arith.constant 128 : i32
      %eq3A = arith.constant 0 : i32
      %eq3A_27 = arith.cmpi eq, %jit3A_26, %eq3A : i32
      %jit3A_28 = arith.constant 1 : i32
      %select_n3A_29 = arith.select %eq3A_27, %jit3A_28, %jit3A_26 : i32
      %rem3A_30 = arith.remsi %add3A_9, %select_n3A_29 : i32
      %ne3A_31 = arith.constant 0 : i32
      %ne3A_32 = arith.cmpi ne, %rem3A_30, %ne3A_31 : i32
      %lt3A = arith.constant 0 : i32
      %lt3A_33 = arith.cmpi slt, %rem3A_30, %lt3A : i32
      %lt3A_34 = arith.constant 0 : i32
      %lt3A_35 = arith.cmpi slt, %select_n3A_29, %lt3A_34 : i32
      %ne3A_36 = arith.xori %lt3A_33, %lt3A_35 : i1
      %and3A_37 = arith.andi %ne3A_36, %ne3A_32 : i1
      %add3A_38 = arith.addi %rem3A_30, %select_n3A_29 : i32
      %select_n3A_39 = arith.select %and3A_37, %add3A_38, %rem3A_30 : i32
      %mul3A_40 = arith.constant 128 : i32
      %mul3A_41 = arith.muli %select_n3A_39, %mul3A_40 : i32
      "tpu.region"() ({
        %run_scoped3A = tpu.sem_alloc : memref<!tpu.dma_semaphore, #tpu.memory_space<semaphore_mem>>
        %dma_start3A_232 = arith.constant 0 : i32
        %dma_start3A_233 = arith.constant 0 : i32
        %dma_start3A_234 = tpu.memref_slice %arg2[%select_n3A, %select_n3A_39, %dma_start3A_232, %dma_start3A_233] : memref<25x128x8x128xi32, #tpu.memory_space<hbm>> -> memref<1x1x8x128xi32, #tpu.memory_space<hbm>>
        %dma_start3A_235 = tpu.memref_squeeze %dma_start3A_234 : memref<1x1x8x128xi32, #tpu.memory_space<hbm>> -> memref<8x128xi32, #tpu.memory_space<hbm>>
        %dma_start3A_236 = arith.constant 0 : i32
        %dma_start3A_237 = arith.constant 0 : i32
        %dma_start3A_238 = tpu.memref_slice %arg2[%select_n3A, %select_n3A_39, %dma_start3A_236, %dma_start3A_237] : memref<25x128x8x128xi32, #tpu.memory_space<hbm>> -> memref<1x1x8x128xi32, #tpu.memory_space<hbm>>
        %dma_start3A_239 = tpu.memref_squeeze %dma_start3A_238 : memref<1x1x8x128xi32, #tpu.memory_space<hbm>> -> memref<8x128xi32, #tpu.memory_space<hbm>>
        tpu.enqueue_dma source(%dma_start3A_239 : memref<8x128xi32, #tpu.memory_space<hbm>>) target(%arg5 : memref<8x128xi32, #tpu.memory_space<vmem>>) target_semaphore(%run_scoped3A : memref<!tpu.dma_semaphore, #tpu.memory_space<semaphore_mem>>)
        %dma_wait3A_240 = arith.constant 0 : i32
        %dma_wait3A_241 = arith.constant 0 : i32
        %dma_wait3A_242 = tpu.memref_slice %arg2[%select_n3A, %select_n3A_39, %dma_wait3A_240, %dma_wait3A_241] : memref<25x128x8x128xi32, #tpu.memory_space<hbm>> -> memref<1x1x8x128xi32, #tpu.memory_space<hbm>>
        %dma_wait3A_243 = tpu.memref_squeeze %dma_wait3A_242 : memref<1x1x8x128xi32, #tpu.memory_space<hbm>> -> memref<8x128xi32, #tpu.memory_space<hbm>>
        %dma_wait3A_244 = arith.constant 0 : i32
        %dma_wait3A_245 = arith.constant 0 : i32
        %dma_wait3A_246 = tpu.memref_slice %arg2[%select_n3A, %select_n3A_39, %dma_wait3A_244, %dma_wait3A_245] : memref<25x128x8x128xi32, #tpu.memory_space<hbm>> -> memref<1x1x8x128xi32, #tpu.memory_space<hbm>>
        %dma_wait3A_247 = tpu.memref_squeeze %dma_wait3A_246 : memref<1x1x8x128xi32, #tpu.memory_space<hbm>> -> memref<8x128xi32, #tpu.memory_space<hbm>>
        tpu.wait_dma2 semaphore(%run_scoped3A : memref<!tpu.dma_semaphore, #tpu.memory_space<semaphore_mem>>) src(%dma_wait3A_247 : memref<8x128xi32, #tpu.memory_space<hbm>>) dst(%arg5 : memref<8x128xi32, #tpu.memory_space<vmem>>)
        tpu.yield
      }) : () -> ()
      %dma_start3A = arith.constant 0 : i32
      %dma_start3A_42 = arith.constant 0 : i32
      %dma_start3A_43 = arith.constant 0 : i32
      %dma_start3A_44 = tpu.memref_slice %arg6[%dma_start3A_42, %dma_start3A_43] : memref<1024x32xf32, #tpu.memory_space<vmem>> -> memref<128x32xf32, #tpu.memory_space<vmem>>
      %dma_start3A_45 = arith.constant 0 : i32
      %dma_start3A_46 = tpu.memref_slice %arg5[%dma_start3A, %dma_start3A_45] : memref<8x128xi32, #tpu.memory_space<vmem>> -> memref<1x128xi32, #tpu.memory_space<vmem>>
      %dma_start3A_47 = tpu.memref_squeeze %dma_start3A_46 : memref<1x128xi32, #tpu.memory_space<vmem>> -> memref<128xi32, #tpu.memory_space<vmem>>
      %dma_start3A_48 = arith.constant 0 : i32
      %dma_start3A_49 = arith.constant 0 : i32
      %dma_start3A_50 = tpu.memref_slice %arg3[%dma_start3A_48, %dma_start3A_49] : memref<1000000x32xf32, #tpu.memory_space<hbm>> -> memref<1000000x32xf32, #tpu.memory_space<hbm>>
      tpu.enqueue_indirect_dma source(%dma_start3A_50 : memref<1000000x32xf32, #tpu.memory_space<hbm>>) target(%dma_start3A_44 : memref<128x32xf32, #tpu.memory_space<vmem>>) offsets(%dma_start3A_47 : memref<128xi32, #tpu.memory_space<vmem>>) semaphore(%arg7 : memref<!tpu.dma_semaphore, #tpu.memory_space<semaphore_mem>>)
      %dma_start3A_51 = arith.constant 1 : i32
      %dma_start3A_52 = arith.constant 128 : i32
      %dma_start3A_53 = arith.constant 0 : i32
      %dma_start3A_54 = tpu.memref_slice %arg6[%dma_start3A_52, %dma_start3A_53] : memref<1024x32xf32, #tpu.memory_space<vmem>> -> memref<128x32xf32, #tpu.memory_space<vmem>>
      %dma_start3A_55 = arith.constant 0 : i32
      %dma_start3A_56 = tpu.memref_slice %arg5[%dma_start3A_51, %dma_start3A_55] : memref<8x128xi32, #tpu.memory_space<vmem>> -> memref<1x128xi32, #tpu.memory_space<vmem>>
      %dma_start3A_57 = tpu.memref_squeeze %dma_start3A_56 : memref<1x128xi32, #tpu.memory_space<vmem>> -> memref<128xi32, #tpu.memory_space<vmem>>
      %dma_start3A_58 = arith.constant 0 : i32
      %dma_start3A_59 = arith.constant 0 : i32
      %dma_start3A_60 = tpu.memref_slice %arg3[%dma_start3A_58, %dma_start3A_59] : memref<1000000x32xf32, #tpu.memory_space<hbm>> -> memref<1000000x32xf32, #tpu.memory_space<hbm>>
      tpu.enqueue_indirect_dma source(%dma_start3A_60 : memref<1000000x32xf32, #tpu.memory_space<hbm>>) target(%dma_start3A_54 : memref<128x32xf32, #tpu.memory_space<vmem>>) offsets(%dma_start3A_57 : memref<128xi32, #tpu.memory_space<vmem>>) semaphore(%arg7 : memref<!tpu.dma_semaphore, #tpu.memory_space<semaphore_mem>>)
      %dma_start3A_61 = arith.constant 2 : i32
      %dma_start3A_62 = arith.constant 256 : i32
      %dma_start3A_63 = arith.constant 0 : i32
      %dma_start3A_64 = tpu.memref_slice %arg6[%dma_start3A_62, %dma_start3A_63] : memref<1024x32xf32, #tpu.memory_space<vmem>> -> memref<128x32xf32, #tpu.memory_space<vmem>>
      %dma_start3A_65 = arith.constant 0 : i32
      %dma_start3A_66 = tpu.memref_slice %arg5[%dma_start3A_61, %dma_start3A_65] : memref<8x128xi32, #tpu.memory_space<vmem>> -> memref<1x128xi32, #tpu.memory_space<vmem>>
      %dma_start3A_67 = tpu.memref_squeeze %dma_start3A_66 : memref<1x128xi32, #tpu.memory_space<vmem>> -> memref<128xi32, #tpu.memory_space<vmem>>
      %dma_start3A_68 = arith.constant 0 : i32
      %dma_start3A_69 = arith.constant 0 : i32
      %dma_start3A_70 = tpu.memref_slice %arg3[%dma_start3A_68, %dma_start3A_69] : memref<1000000x32xf32, #tpu.memory_space<hbm>> -> memref<1000000x32xf32, #tpu.memory_space<hbm>>
      tpu.enqueue_indirect_dma source(%dma_start3A_70 : memref<1000000x32xf32, #tpu.memory_space<hbm>>) target(%dma_start3A_64 : memref<128x32xf32, #tpu.memory_space<vmem>>) offsets(%dma_start3A_67 : memref<128xi32, #tpu.memory_space<vmem>>) semaphore(%arg7 : memref<!tpu.dma_semaphore, #tpu.memory_space<semaphore_mem>>)
      %dma_start3A_71 = arith.constant 3 : i32
      %dma_start3A_72 = arith.constant 384 : i32
      %dma_start3A_73 = arith.constant 0 : i32
      %dma_start3A_74 = tpu.memref_slice %arg6[%dma_start3A_72, %dma_start3A_73] : memref<1024x32xf32, #tpu.memory_space<vmem>> -> memref<128x32xf32, #tpu.memory_space<vmem>>
      %dma_start3A_75 = arith.constant 0 : i32
      %dma_start3A_76 = tpu.memref_slice %arg5[%dma_start3A_71, %dma_start3A_75] : memref<8x128xi32, #tpu.memory_space<vmem>> -> memref<1x128xi32, #tpu.memory_space<vmem>>
      %dma_start3A_77 = tpu.memref_squeeze %dma_start3A_76 : memref<1x128xi32, #tpu.memory_space<vmem>> -> memref<128xi32, #tpu.memory_space<vmem>>
      %dma_start3A_78 = arith.constant 0 : i32
      %dma_start3A_79 = arith.constant 0 : i32
      %dma_start3A_80 = tpu.memref_slice %arg3[%dma_start3A_78, %dma_start3A_79] : memref<1000000x32xf32, #tpu.memory_space<hbm>> -> memref<1000000x32xf32, #tpu.memory_space<hbm>>
      tpu.enqueue_indirect_dma source(%dma_start3A_80 : memref<1000000x32xf32, #tpu.memory_space<hbm>>) target(%dma_start3A_74 : memref<128x32xf32, #tpu.memory_space<vmem>>) offsets(%dma_start3A_77 : memref<128xi32, #tpu.memory_space<vmem>>) semaphore(%arg7 : memref<!tpu.dma_semaphore, #tpu.memory_space<semaphore_mem>>)
      %dma_start3A_81 = arith.constant 4 : i32
      %dma_start3A_82 = arith.constant 512 : i32
      %dma_start3A_83 = arith.constant 0 : i32
      %dma_start3A_84 = tpu.memref_slice %arg6[%dma_start3A_82, %dma_start3A_83] : memref<1024x32xf32, #tpu.memory_space<vmem>> -> memref<128x32xf32, #tpu.memory_space<vmem>>
      %dma_start3A_85 = arith.constant 0 : i32
      %dma_start3A_86 = tpu.memref_slice %arg5[%dma_start3A_81, %dma_start3A_85] : memref<8x128xi32, #tpu.memory_space<vmem>> -> memref<1x128xi32, #tpu.memory_space<vmem>>
      %dma_start3A_87 = tpu.memref_squeeze %dma_start3A_86 : memref<1x128xi32, #tpu.memory_space<vmem>> -> memref<128xi32, #tpu.memory_space<vmem>>
      %dma_start3A_88 = arith.constant 0 : i32
      %dma_start3A_89 = arith.constant 0 : i32
      %dma_start3A_90 = tpu.memref_slice %arg3[%dma_start3A_88, %dma_start3A_89] : memref<1000000x32xf32, #tpu.memory_space<hbm>> -> memref<1000000x32xf32, #tpu.memory_space<hbm>>
      tpu.enqueue_indirect_dma source(%dma_start3A_90 : memref<1000000x32xf32, #tpu.memory_space<hbm>>) target(%dma_start3A_84 : memref<128x32xf32, #tpu.memory_space<vmem>>) offsets(%dma_start3A_87 : memref<128xi32, #tpu.memory_space<vmem>>) semaphore(%arg7 : memref<!tpu.dma_semaphore, #tpu.memory_space<semaphore_mem>>)
      %dma_start3A_91 = arith.constant 5 : i32
      %dma_start3A_92 = arith.constant 640 : i32
      %dma_start3A_93 = arith.constant 0 : i32
      %dma_start3A_94 = tpu.memref_slice %arg6[%dma_start3A_92, %dma_start3A_93] : memref<1024x32xf32, #tpu.memory_space<vmem>> -> memref<128x32xf32, #tpu.memory_space<vmem>>
      %dma_start3A_95 = arith.constant 0 : i32
      %dma_start3A_96 = tpu.memref_slice %arg5[%dma_start3A_91, %dma_start3A_95] : memref<8x128xi32, #tpu.memory_space<vmem>> -> memref<1x128xi32, #tpu.memory_space<vmem>>
      %dma_start3A_97 = tpu.memref_squeeze %dma_start3A_96 : memref<1x128xi32, #tpu.memory_space<vmem>> -> memref<128xi32, #tpu.memory_space<vmem>>
      %dma_start3A_98 = arith.constant 0 : i32
      %dma_start3A_99 = arith.constant 0 : i32
      %dma_start3A_100 = tpu.memref_slice %arg3[%dma_start3A_98, %dma_start3A_99] : memref<1000000x32xf32, #tpu.memory_space<hbm>> -> memref<1000000x32xf32, #tpu.memory_space<hbm>>
      tpu.enqueue_indirect_dma source(%dma_start3A_100 : memref<1000000x32xf32, #tpu.memory_space<hbm>>) target(%dma_start3A_94 : memref<128x32xf32, #tpu.memory_space<vmem>>) offsets(%dma_start3A_97 : memref<128xi32, #tpu.memory_space<vmem>>) semaphore(%arg7 : memref<!tpu.dma_semaphore, #tpu.memory_space<semaphore_mem>>)
      %dma_start3A_101 = arith.constant 6 : i32
      %dma_start3A_102 = arith.constant 768 : i32
      %dma_start3A_103 = arith.constant 0 : i32
      %dma_start3A_104 = tpu.memref_slice %arg6[%dma_start3A_102, %dma_start3A_103] : memref<1024x32xf32, #tpu.memory_space<vmem>> -> memref<128x32xf32, #tpu.memory_space<vmem>>
      %dma_start3A_105 = arith.constant 0 : i32
      %dma_start3A_106 = tpu.memref_slice %arg5[%dma_start3A_101, %dma_start3A_105] : memref<8x128xi32, #tpu.memory_space<vmem>> -> memref<1x128xi32, #tpu.memory_space<vmem>>
      %dma_start3A_107 = tpu.memref_squeeze %dma_start3A_106 : memref<1x128xi32, #tpu.memory_space<vmem>> -> memref<128xi32, #tpu.memory_space<vmem>>
      %dma_start3A_108 = arith.constant 0 : i32
      %dma_start3A_109 = arith.constant 0 : i32
      %dma_start3A_110 = tpu.memref_slice %arg3[%dma_start3A_108, %dma_start3A_109] : memref<1000000x32xf32, #tpu.memory_space<hbm>> -> memref<1000000x32xf32, #tpu.memory_space<hbm>>
      tpu.enqueue_indirect_dma source(%dma_start3A_110 : memref<1000000x32xf32, #tpu.memory_space<hbm>>) target(%dma_start3A_104 : memref<128x32xf32, #tpu.memory_space<vmem>>) offsets(%dma_start3A_107 : memref<128xi32, #tpu.memory_space<vmem>>) semaphore(%arg7 : memref<!tpu.dma_semaphore, #tpu.memory_space<semaphore_mem>>)
      %dma_start3A_111 = arith.constant 7 : i32
      %dma_start3A_112 = arith.constant 896 : i32
      %dma_start3A_113 = arith.constant 0 : i32
      %dma_start3A_114 = tpu.memref_slice %arg6[%dma_start3A_112, %dma_start3A_113] : memref<1024x32xf32, #tpu.memory_space<vmem>> -> memref<128x32xf32, #tpu.memory_space<vmem>>
      %dma_start3A_115 = arith.constant 0 : i32
      %dma_start3A_116 = tpu.memref_slice %arg5[%dma_start3A_111, %dma_start3A_115] : memref<8x128xi32, #tpu.memory_space<vmem>> -> memref<1x128xi32, #tpu.memory_space<vmem>>
      %dma_start3A_117 = tpu.memref_squeeze %dma_start3A_116 : memref<1x128xi32, #tpu.memory_space<vmem>> -> memref<128xi32, #tpu.memory_space<vmem>>
      %dma_start3A_118 = arith.constant 0 : i32
      %dma_start3A_119 = arith.constant 0 : i32
      %dma_start3A_120 = tpu.memref_slice %arg3[%dma_start3A_118, %dma_start3A_119] : memref<1000000x32xf32, #tpu.memory_space<hbm>> -> memref<1000000x32xf32, #tpu.memory_space<hbm>>
      tpu.enqueue_indirect_dma source(%dma_start3A_120 : memref<1000000x32xf32, #tpu.memory_space<hbm>>) target(%dma_start3A_114 : memref<128x32xf32, #tpu.memory_space<vmem>>) offsets(%dma_start3A_117 : memref<128xi32, #tpu.memory_space<vmem>>) semaphore(%arg7 : memref<!tpu.dma_semaphore, #tpu.memory_space<semaphore_mem>>)
      %dma_wait3A = arith.constant 0 : i32
      %dma_wait3A_121 = arith.constant 0 : i32
      %dma_wait3A_122 = arith.constant 0 : i32
      %dma_wait3A_123 = tpu.memref_slice %arg6[%dma_wait3A_121, %dma_wait3A_122] : memref<1024x32xf32, #tpu.memory_space<vmem>> -> memref<128x32xf32, #tpu.memory_space<vmem>>
      %dma_wait3A_124 = arith.constant 0 : i32
      %dma_wait3A_125 = tpu.memref_slice %arg5[%dma_wait3A, %dma_wait3A_124] : memref<8x128xi32, #tpu.memory_space<vmem>> -> memref<1x128xi32, #tpu.memory_space<vmem>>
      %dma_wait3A_126 = tpu.memref_squeeze %dma_wait3A_125 : memref<1x128xi32, #tpu.memory_space<vmem>> -> memref<128xi32, #tpu.memory_space<vmem>>
      %dma_wait3A_127 = arith.constant 0 : i32
      %dma_wait3A_128 = arith.constant 0 : i32
      %dma_wait3A_129 = tpu.memref_slice %arg3[%dma_wait3A_127, %dma_wait3A_128] : memref<1000000x32xf32, #tpu.memory_space<hbm>> -> memref<1000000x32xf32, #tpu.memory_space<hbm>>
      tpu.wait_indirect_dma semaphore(%arg7 : memref<!tpu.dma_semaphore, #tpu.memory_space<semaphore_mem>>) src(%dma_wait3A_129 : memref<1000000x32xf32, #tpu.memory_space<hbm>>) dst(%dma_wait3A_123 : memref<128x32xf32, #tpu.memory_space<vmem>>)
      %dma_wait3A_130 = arith.constant 1 : i32
      %dma_wait3A_131 = arith.constant 128 : i32
      %dma_wait3A_132 = arith.constant 0 : i32
      %dma_wait3A_133 = tpu.memref_slice %arg6[%dma_wait3A_131, %dma_wait3A_132] : memref<1024x32xf32, #tpu.memory_space<vmem>> -> memref<128x32xf32, #tpu.memory_space<vmem>>
      %dma_wait3A_134 = arith.constant 0 : i32
      %dma_wait3A_135 = tpu.memref_slice %arg5[%dma_wait3A_130, %dma_wait3A_134] : memref<8x128xi32, #tpu.memory_space<vmem>> -> memref<1x128xi32, #tpu.memory_space<vmem>>
      %dma_wait3A_136 = tpu.memref_squeeze %dma_wait3A_135 : memref<1x128xi32, #tpu.memory_space<vmem>> -> memref<128xi32, #tpu.memory_space<vmem>>
      %dma_wait3A_137 = arith.constant 0 : i32
      %dma_wait3A_138 = arith.constant 0 : i32
      %dma_wait3A_139 = tpu.memref_slice %arg3[%dma_wait3A_137, %dma_wait3A_138] : memref<1000000x32xf32, #tpu.memory_space<hbm>> -> memref<1000000x32xf32, #tpu.memory_space<hbm>>
      tpu.wait_indirect_dma semaphore(%arg7 : memref<!tpu.dma_semaphore, #tpu.memory_space<semaphore_mem>>) src(%dma_wait3A_139 : memref<1000000x32xf32, #tpu.memory_space<hbm>>) dst(%dma_wait3A_133 : memref<128x32xf32, #tpu.memory_space<vmem>>)
      %dma_wait3A_140 = arith.constant 2 : i32
      %dma_wait3A_141 = arith.constant 256 : i32
      %dma_wait3A_142 = arith.constant 0 : i32
      %dma_wait3A_143 = tpu.memref_slice %arg6[%dma_wait3A_141, %dma_wait3A_142] : memref<1024x32xf32, #tpu.memory_space<vmem>> -> memref<128x32xf32, #tpu.memory_space<vmem>>
      %dma_wait3A_144 = arith.constant 0 : i32
      %dma_wait3A_145 = tpu.memref_slice %arg5[%dma_wait3A_140, %dma_wait3A_144] : memref<8x128xi32, #tpu.memory_space<vmem>> -> memref<1x128xi32, #tpu.memory_space<vmem>>
      %dma_wait3A_146 = tpu.memref_squeeze %dma_wait3A_145 : memref<1x128xi32, #tpu.memory_space<vmem>> -> memref<128xi32, #tpu.memory_space<vmem>>
      %dma_wait3A_147 = arith.constant 0 : i32
      %dma_wait3A_148 = arith.constant 0 : i32
      %dma_wait3A_149 = tpu.memref_slice %arg3[%dma_wait3A_147, %dma_wait3A_148] : memref<1000000x32xf32, #tpu.memory_space<hbm>> -> memref<1000000x32xf32, #tpu.memory_space<hbm>>
      tpu.wait_indirect_dma semaphore(%arg7 : memref<!tpu.dma_semaphore, #tpu.memory_space<semaphore_mem>>) src(%dma_wait3A_149 : memref<1000000x32xf32, #tpu.memory_space<hbm>>) dst(%dma_wait3A_143 : memref<128x32xf32, #tpu.memory_space<vmem>>)
      %dma_wait3A_150 = arith.constant 3 : i32
      %dma_wait3A_151 = arith.constant 384 : i32
      %dma_wait3A_152 = arith.constant 0 : i32
      %dma_wait3A_153 = tpu.memref_slice %arg6[%dma_wait3A_151, %dma_wait3A_152] : memref<1024x32xf32, #tpu.memory_space<vmem>> -> memref<128x32xf32, #tpu.memory_space<vmem>>
      %dma_wait3A_154 = arith.constant 0 : i32
      %dma_wait3A_155 = tpu.memref_slice %arg5[%dma_wait3A_150, %dma_wait3A_154] : memref<8x128xi32, #tpu.memory_space<vmem>> -> memref<1x128xi32, #tpu.memory_space<vmem>>
      %dma_wait3A_156 = tpu.memref_squeeze %dma_wait3A_155 : memref<1x128xi32, #tpu.memory_space<vmem>> -> memref<128xi32, #tpu.memory_space<vmem>>
      %dma_wait3A_157 = arith.constant 0 : i32
      %dma_wait3A_158 = arith.constant 0 : i32
      %dma_wait3A_159 = tpu.memref_slice %arg3[%dma_wait3A_157, %dma_wait3A_158] : memref<1000000x32xf32, #tpu.memory_space<hbm>> -> memref<1000000x32xf32, #tpu.memory_space<hbm>>
      tpu.wait_indirect_dma semaphore(%arg7 : memref<!tpu.dma_semaphore, #tpu.memory_space<semaphore_mem>>) src(%dma_wait3A_159 : memref<1000000x32xf32, #tpu.memory_space<hbm>>) dst(%dma_wait3A_153 : memref<128x32xf32, #tpu.memory_space<vmem>>)
      %dma_wait3A_160 = arith.constant 4 : i32
      %dma_wait3A_161 = arith.constant 512 : i32
      %dma_wait3A_162 = arith.constant 0 : i32
      %dma_wait3A_163 = tpu.memref_slice %arg6[%dma_wait3A_161, %dma_wait3A_162] : memref<1024x32xf32, #tpu.memory_space<vmem>> -> memref<128x32xf32, #tpu.memory_space<vmem>>
      %dma_wait3A_164 = arith.constant 0 : i32
      %dma_wait3A_165 = tpu.memref_slice %arg5[%dma_wait3A_160, %dma_wait3A_164] : memref<8x128xi32, #tpu.memory_space<vmem>> -> memref<1x128xi32, #tpu.memory_space<vmem>>
      %dma_wait3A_166 = tpu.memref_squeeze %dma_wait3A_165 : memref<1x128xi32, #tpu.memory_space<vmem>> -> memref<128xi32, #tpu.memory_space<vmem>>
      %dma_wait3A_167 = arith.constant 0 : i32
      %dma_wait3A_168 = arith.constant 0 : i32
      %dma_wait3A_169 = tpu.memref_slice %arg3[%dma_wait3A_167, %dma_wait3A_168] : memref<1000000x32xf32, #tpu.memory_space<hbm>> -> memref<1000000x32xf32, #tpu.memory_space<hbm>>
      tpu.wait_indirect_dma semaphore(%arg7 : memref<!tpu.dma_semaphore, #tpu.memory_space<semaphore_mem>>) src(%dma_wait3A_169 : memref<1000000x32xf32, #tpu.memory_space<hbm>>) dst(%dma_wait3A_163 : memref<128x32xf32, #tpu.memory_space<vmem>>)
      %dma_wait3A_170 = arith.constant 5 : i32
      %dma_wait3A_171 = arith.constant 640 : i32
      %dma_wait3A_172 = arith.constant 0 : i32
      %dma_wait3A_173 = tpu.memref_slice %arg6[%dma_wait3A_171, %dma_wait3A_172] : memref<1024x32xf32, #tpu.memory_space<vmem>> -> memref<128x32xf32, #tpu.memory_space<vmem>>
      %dma_wait3A_174 = arith.constant 0 : i32
      %dma_wait3A_175 = tpu.memref_slice %arg5[%dma_wait3A_170, %dma_wait3A_174] : memref<8x128xi32, #tpu.memory_space<vmem>> -> memref<1x128xi32, #tpu.memory_space<vmem>>
      %dma_wait3A_176 = tpu.memref_squeeze %dma_wait3A_175 : memref<1x128xi32, #tpu.memory_space<vmem>> -> memref<128xi32, #tpu.memory_space<vmem>>
      %dma_wait3A_177 = arith.constant 0 : i32
      %dma_wait3A_178 = arith.constant 0 : i32
      %dma_wait3A_179 = tpu.memref_slice %arg3[%dma_wait3A_177, %dma_wait3A_178] : memref<1000000x32xf32, #tpu.memory_space<hbm>> -> memref<1000000x32xf32, #tpu.memory_space<hbm>>
      tpu.wait_indirect_dma semaphore(%arg7 : memref<!tpu.dma_semaphore, #tpu.memory_space<semaphore_mem>>) src(%dma_wait3A_179 : memref<1000000x32xf32, #tpu.memory_space<hbm>>) dst(%dma_wait3A_173 : memref<128x32xf32, #tpu.memory_space<vmem>>)
      %dma_wait3A_180 = arith.constant 6 : i32
      %dma_wait3A_181 = arith.constant 768 : i32
      %dma_wait3A_182 = arith.constant 0 : i32
      %dma_wait3A_183 = tpu.memref_slice %arg6[%dma_wait3A_181, %dma_wait3A_182] : memref<1024x32xf32, #tpu.memory_space<vmem>> -> memref<128x32xf32, #tpu.memory_space<vmem>>
      %dma_wait3A_184 = arith.constant 0 : i32
      %dma_wait3A_185 = tpu.memref_slice %arg5[%dma_wait3A_180, %dma_wait3A_184] : memref<8x128xi32, #tpu.memory_space<vmem>> -> memref<1x128xi32, #tpu.memory_space<vmem>>
      %dma_wait3A_186 = tpu.memref_squeeze %dma_wait3A_185 : memref<1x128xi32, #tpu.memory_space<vmem>> -> memref<128xi32, #tpu.memory_space<vmem>>
      %dma_wait3A_187 = arith.constant 0 : i32
      %dma_wait3A_188 = arith.constant 0 : i32
      %dma_wait3A_189 = tpu.memref_slice %arg3[%dma_wait3A_187, %dma_wait3A_188] : memref<1000000x32xf32, #tpu.memory_space<hbm>> -> memref<1000000x32xf32, #tpu.memory_space<hbm>>
      tpu.wait_indirect_dma semaphore(%arg7 : memref<!tpu.dma_semaphore, #tpu.memory_space<semaphore_mem>>) src(%dma_wait3A_189 : memref<1000000x32xf32, #tpu.memory_space<hbm>>) dst(%dma_wait3A_183 : memref<128x32xf32, #tpu.memory_space<vmem>>)
      %dma_wait3A_190 = arith.constant 7 : i32
      %dma_wait3A_191 = arith.constant 896 : i32
      %dma_wait3A_192 = arith.constant 0 : i32
      %dma_wait3A_193 = tpu.memref_slice %arg6[%dma_wait3A_191, %dma_wait3A_192] : memref<1024x32xf32, #tpu.memory_space<vmem>> -> memref<128x32xf32, #tpu.memory_space<vmem>>
      %dma_wait3A_194 = arith.constant 0 : i32
      %dma_wait3A_195 = tpu.memref_slice %arg5[%dma_wait3A_190, %dma_wait3A_194] : memref<8x128xi32, #tpu.memory_space<vmem>> -> memref<1x128xi32, #tpu.memory_space<vmem>>
      %dma_wait3A_196 = tpu.memref_squeeze %dma_wait3A_195 : memref<1x128xi32, #tpu.memory_space<vmem>> -> memref<128xi32, #tpu.memory_space<vmem>>
      %dma_wait3A_197 = arith.constant 0 : i32
      %dma_wait3A_198 = arith.constant 0 : i32
      %dma_wait3A_199 = tpu.memref_slice %arg3[%dma_wait3A_197, %dma_wait3A_198] : memref<1000000x32xf32, #tpu.memory_space<hbm>> -> memref<1000000x32xf32, #tpu.memory_space<hbm>>
      tpu.wait_indirect_dma semaphore(%arg7 : memref<!tpu.dma_semaphore, #tpu.memory_space<semaphore_mem>>) src(%dma_wait3A_199 : memref<1000000x32xf32, #tpu.memory_space<hbm>>) dst(%dma_wait3A_193 : memref<128x32xf32, #tpu.memory_space<vmem>>)
      %mul3A_200 = arith.constant 8 : i32
      %mul3A_201 = arith.muli %select_n3A, %mul3A_200 : i32
      %add3A_202 = arith.constant 0 : i32
      %add3A_203 = arith.addi %mul3A_201, %add3A_202 : i32
      "tpu.region"() ({
        %run_scoped3A = tpu.sem_alloc : memref<!tpu.dma_semaphore, #tpu.memory_space<semaphore_mem>>
        %dma_start3A_232 = arith.constant 0 : i32
        %dma_start3A_233 = arith.constant 0 : i32
        %dma_start3A_234 = tpu.memref_slice %arg6[%dma_start3A_232, %dma_start3A_233] : memref<1024x32xf32, #tpu.memory_space<vmem>> -> memref<128x32xf32, #tpu.memory_space<vmem>>
        %dma_start3A_235 = arith.constant 0 : i32
        %dma_start3A_236 = tpu.memref_slice %arg4[%add3A_203, %mul3A_41, %dma_start3A_235] : memref<200x16384x32xf32, #tpu.memory_space<hbm>> -> memref<1x128x32xf32, #tpu.memory_space<hbm>>
        %dma_start3A_237 = tpu.memref_squeeze %dma_start3A_236 : memref<1x128x32xf32, #tpu.memory_space<hbm>> -> memref<128x32xf32, #tpu.memory_space<hbm>>
        %dma_start3A_238 = arith.constant 0 : i32
        %dma_start3A_239 = tpu.memref_slice %arg4[%add3A_203, %mul3A_41, %dma_start3A_238] : memref<200x16384x32xf32, #tpu.memory_space<hbm>> -> memref<1x128x32xf32, #tpu.memory_space<hbm>>
        %dma_start3A_240 = tpu.memref_squeeze %dma_start3A_239 : memref<1x128x32xf32, #tpu.memory_space<hbm>> -> memref<128x32xf32, #tpu.memory_space<hbm>>
        %dma_start3A_241 = arith.constant 0 : i32
        %dma_start3A_242 = arith.constant 0 : i32
        %dma_start3A_243 = tpu.memref_slice %arg6[%dma_start3A_241, %dma_start3A_242] : memref<1024x32xf32, #tpu.memory_space<vmem>> -> memref<128x32xf32, #tpu.memory_space<vmem>>
        tpu.enqueue_dma source(%dma_start3A_243 : memref<128x32xf32, #tpu.memory_space<vmem>>) target(%dma_start3A_240 : memref<128x32xf32, #tpu.memory_space<hbm>>) target_semaphore(%run_scoped3A : memref<!tpu.dma_semaphore, #tpu.memory_space<semaphore_mem>>)
        %dma_wait3A_244 = arith.constant 0 : i32
        %dma_wait3A_245 = arith.constant 0 : i32
        %dma_wait3A_246 = tpu.memref_slice %arg6[%dma_wait3A_244, %dma_wait3A_245] : memref<1024x32xf32, #tpu.memory_space<vmem>> -> memref<128x32xf32, #tpu.memory_space<vmem>>
        %dma_wait3A_247 = arith.constant 0 : i32
        %dma_wait3A_248 = tpu.memref_slice %arg4[%add3A_203, %mul3A_41, %dma_wait3A_247] : memref<200x16384x32xf32, #tpu.memory_space<hbm>> -> memref<1x128x32xf32, #tpu.memory_space<hbm>>
        %dma_wait3A_249 = tpu.memref_squeeze %dma_wait3A_248 : memref<1x128x32xf32, #tpu.memory_space<hbm>> -> memref<128x32xf32, #tpu.memory_space<hbm>>
        %dma_wait3A_250 = arith.constant 0 : i32
        %dma_wait3A_251 = tpu.memref_slice %arg4[%add3A_203, %mul3A_41, %dma_wait3A_250] : memref<200x16384x32xf32, #tpu.memory_space<hbm>> -> memref<1x128x32xf32, #tpu.memory_space<hbm>>
        %dma_wait3A_252 = tpu.memref_squeeze %dma_wait3A_251 : memref<1x128x32xf32, #tpu.memory_space<hbm>> -> memref<128x32xf32, #tpu.memory_space<hbm>>
        %dma_wait3A_253 = arith.constant 0 : i32
        %dma_wait3A_254 = arith.constant 0 : i32
        %dma_wait3A_255 = tpu.memref_slice %arg6[%dma_wait3A_253, %dma_wait3A_254] : memref<1024x32xf32, #tpu.memory_space<vmem>> -> memref<128x32xf32, #tpu.memory_space<vmem>>
        tpu.wait_dma2 semaphore(%run_scoped3A : memref<!tpu.dma_semaphore, #tpu.memory_space<semaphore_mem>>) src(%dma_wait3A_255 : memref<128x32xf32, #tpu.memory_space<vmem>>) dst(%dma_wait3A_252 : memref<128x32xf32, #tpu.memory_space<hbm>>)
        tpu.yield
      }) : () -> ()
      %mul3A_204 = arith.constant 8 : i32
      %mul3A_205 = arith.muli %select_n3A, %mul3A_204 : i32
      %add3A_206 = arith.constant 1 : i32
      %add3A_207 = arith.addi %mul3A_205, %add3A_206 : i32
      "tpu.region"() ({
        %run_scoped3A = tpu.sem_alloc : memref<!tpu.dma_semaphore, #tpu.memory_space<semaphore_mem>>
        %dma_start3A_232 = arith.constant 128 : i32
        %dma_start3A_233 = arith.constant 0 : i32
        %dma_start3A_234 = tpu.memref_slice %arg6[%dma_start3A_232, %dma_start3A_233] : memref<1024x32xf32, #tpu.memory_space<vmem>> -> memref<128x32xf32, #tpu.memory_space<vmem>>
        %dma_start3A_235 = arith.constant 0 : i32
        %dma_start3A_236 = tpu.memref_slice %arg4[%add3A_207, %mul3A_41, %dma_start3A_235] : memref<200x16384x32xf32, #tpu.memory_space<hbm>> -> memref<1x128x32xf32, #tpu.memory_space<hbm>>
        %dma_start3A_237 = tpu.memref_squeeze %dma_start3A_236 : memref<1x128x32xf32, #tpu.memory_space<hbm>> -> memref<128x32xf32, #tpu.memory_space<hbm>>
        %dma_start3A_238 = arith.constant 0 : i32
        %dma_start3A_239 = tpu.memref_slice %arg4[%add3A_207, %mul3A_41, %dma_start3A_238] : memref<200x16384x32xf32, #tpu.memory_space<hbm>> -> memref<1x128x32xf32, #tpu.memory_space<hbm>>
        %dma_start3A_240 = tpu.memref_squeeze %dma_start3A_239 : memref<1x128x32xf32, #tpu.memory_space<hbm>> -> memref<128x32xf32, #tpu.memory_space<hbm>>
        %dma_start3A_241 = arith.constant 128 : i32
        %dma_start3A_242 = arith.constant 0 : i32
        %dma_start3A_243 = tpu.memref_slice %arg6[%dma_start3A_241, %dma_start3A_242] : memref<1024x32xf32, #tpu.memory_space<vmem>> -> memref<128x32xf32, #tpu.memory_space<vmem>>
        tpu.enqueue_dma source(%dma_start3A_243 : memref<128x32xf32, #tpu.memory_space<vmem>>) target(%dma_start3A_240 : memref<128x32xf32, #tpu.memory_space<hbm>>) target_semaphore(%run_scoped3A : memref<!tpu.dma_semaphore, #tpu.memory_space<semaphore_mem>>)
        %dma_wait3A_244 = arith.constant 128 : i32
        %dma_wait3A_245 = arith.constant 0 : i32
        %dma_wait3A_246 = tpu.memref_slice %arg6[%dma_wait3A_244, %dma_wait3A_245] : memref<1024x32xf32, #tpu.memory_space<vmem>> -> memref<128x32xf32, #tpu.memory_space<vmem>>
        %dma_wait3A_247 = arith.constant 0 : i32
        %dma_wait3A_248 = tpu.memref_slice %arg4[%add3A_207, %mul3A_41, %dma_wait3A_247] : memref<200x16384x32xf32, #tpu.memory_space<hbm>> -> memref<1x128x32xf32, #tpu.memory_space<hbm>>
        %dma_wait3A_249 = tpu.memref_squeeze %dma_wait3A_248 : memref<1x128x32xf32, #tpu.memory_space<hbm>> -> memref<128x32xf32, #tpu.memory_space<hbm>>
        %dma_wait3A_250 = arith.constant 0 : i32
        %dma_wait3A_251 = tpu.memref_slice %arg4[%add3A_207, %mul3A_41, %dma_wait3A_250] : memref<200x16384x32xf32, #tpu.memory_space<hbm>> -> memref<1x128x32xf32, #tpu.memory_space<hbm>>
        %dma_wait3A_252 = tpu.memref_squeeze %dma_wait3A_251 : memref<1x128x32xf32, #tpu.memory_space<hbm>> -> memref<128x32xf32, #tpu.memory_space<hbm>>
        %dma_wait3A_253 = arith.constant 128 : i32
        %dma_wait3A_254 = arith.constant 0 : i32
        %dma_wait3A_255 = tpu.memref_slice %arg6[%dma_wait3A_253, %dma_wait3A_254] : memref<1024x32xf32, #tpu.memory_space<vmem>> -> memref<128x32xf32, #tpu.memory_space<vmem>>
        tpu.wait_dma2 semaphore(%run_scoped3A : memref<!tpu.dma_semaphore, #tpu.memory_space<semaphore_mem>>) src(%dma_wait3A_255 : memref<128x32xf32, #tpu.memory_space<vmem>>) dst(%dma_wait3A_252 : memref<128x32xf32, #tpu.memory_space<hbm>>)
        tpu.yield
      }) : () -> ()
      %mul3A_208 = arith.constant 8 : i32
      %mul3A_209 = arith.muli %select_n3A, %mul3A_208 : i32
      %add3A_210 = arith.constant 2 : i32
      %add3A_211 = arith.addi %mul3A_209, %add3A_210 : i32
      "tpu.region"() ({
        %run_scoped3A = tpu.sem_alloc : memref<!tpu.dma_semaphore, #tpu.memory_space<semaphore_mem>>
        %dma_start3A_232 = arith.constant 256 : i32
        %dma_start3A_233 = arith.constant 0 : i32
        %dma_start3A_234 = tpu.memref_slice %arg6[%dma_start3A_232, %dma_start3A_233] : memref<1024x32xf32, #tpu.memory_space<vmem>> -> memref<128x32xf32, #tpu.memory_space<vmem>>
        %dma_start3A_235 = arith.constant 0 : i32
        %dma_start3A_236 = tpu.memref_slice %arg4[%add3A_211, %mul3A_41, %dma_start3A_235] : memref<200x16384x32xf32, #tpu.memory_space<hbm>> -> memref<1x128x32xf32, #tpu.memory_space<hbm>>
        %dma_start3A_237 = tpu.memref_squeeze %dma_start3A_236 : memref<1x128x32xf32, #tpu.memory_space<hbm>> -> memref<128x32xf32, #tpu.memory_space<hbm>>
        %dma_start3A_238 = arith.constant 0 : i32
        %dma_start3A_239 = tpu.memref_slice %arg4[%add3A_211, %mul3A_41, %dma_start3A_238] : memref<200x16384x32xf32, #tpu.memory_space<hbm>> -> memref<1x128x32xf32, #tpu.memory_space<hbm>>
        %dma_start3A_240 = tpu.memref_squeeze %dma_start3A_239 : memref<1x128x32xf32, #tpu.memory_space<hbm>> -> memref<128x32xf32, #tpu.memory_space<hbm>>
        %dma_start3A_241 = arith.constant 256 : i32
        %dma_start3A_242 = arith.constant 0 : i32
        %dma_start3A_243 = tpu.memref_slice %arg6[%dma_start3A_241, %dma_start3A_242] : memref<1024x32xf32, #tpu.memory_space<vmem>> -> memref<128x32xf32, #tpu.memory_space<vmem>>
        tpu.enqueue_dma source(%dma_start3A_243 : memref<128x32xf32, #tpu.memory_space<vmem>>) target(%dma_start3A_240 : memref<128x32xf32, #tpu.memory_space<hbm>>) target_semaphore(%run_scoped3A : memref<!tpu.dma_semaphore, #tpu.memory_space<semaphore_mem>>)
        %dma_wait3A_244 = arith.constant 256 : i32
        %dma_wait3A_245 = arith.constant 0 : i32
        %dma_wait3A_246 = tpu.memref_slice %arg6[%dma_wait3A_244, %dma_wait3A_245] : memref<1024x32xf32, #tpu.memory_space<vmem>> -> memref<128x32xf32, #tpu.memory_space<vmem>>
        %dma_wait3A_247 = arith.constant 0 : i32
        %dma_wait3A_248 = tpu.memref_slice %arg4[%add3A_211, %mul3A_41, %dma_wait3A_247] : memref<200x16384x32xf32, #tpu.memory_space<hbm>> -> memref<1x128x32xf32, #tpu.memory_space<hbm>>
        %dma_wait3A_249 = tpu.memref_squeeze %dma_wait3A_248 : memref<1x128x32xf32, #tpu.memory_space<hbm>> -> memref<128x32xf32, #tpu.memory_space<hbm>>
        %dma_wait3A_250 = arith.constant 0 : i32
        %dma_wait3A_251 = tpu.memref_slice %arg4[%add3A_211, %mul3A_41, %dma_wait3A_250] : memref<200x16384x32xf32, #tpu.memory_space<hbm>> -> memref<1x128x32xf32, #tpu.memory_space<hbm>>
        %dma_wait3A_252 = tpu.memref_squeeze %dma_wait3A_251 : memref<1x128x32xf32, #tpu.memory_space<hbm>> -> memref<128x32xf32, #tpu.memory_space<hbm>>
        %dma_wait3A_253 = arith.constant 256 : i32
        %dma_wait3A_254 = arith.constant 0 : i32
        %dma_wait3A_255 = tpu.memref_slice %arg6[%dma_wait3A_253, %dma_wait3A_254] : memref<1024x32xf32, #tpu.memory_space<vmem>> -> memref<128x32xf32, #tpu.memory_space<vmem>>
        tpu.wait_dma2 semaphore(%run_scoped3A : memref<!tpu.dma_semaphore, #tpu.memory_space<semaphore_mem>>) src(%dma_wait3A_255 : memref<128x32xf32, #tpu.memory_space<vmem>>) dst(%dma_wait3A_252 : memref<128x32xf32, #tpu.memory_space<hbm>>)
        tpu.yield
      }) : () -> ()
      %mul3A_212 = arith.constant 8 : i32
      %mul3A_213 = arith.muli %select_n3A, %mul3A_212 : i32
      %add3A_214 = arith.constant 3 : i32
      %add3A_215 = arith.addi %mul3A_213, %add3A_214 : i32
      "tpu.region"() ({
        %run_scoped3A = tpu.sem_alloc : memref<!tpu.dma_semaphore, #tpu.memory_space<semaphore_mem>>
        %dma_start3A_232 = arith.constant 384 : i32
        %dma_start3A_233 = arith.constant 0 : i32
        %dma_start3A_234 = tpu.memref_slice %arg6[%dma_start3A_232, %dma_start3A_233] : memref<1024x32xf32, #tpu.memory_space<vmem>> -> memref<128x32xf32, #tpu.memory_space<vmem>>
        %dma_start3A_235 = arith.constant 0 : i32
        %dma_start3A_236 = tpu.memref_slice %arg4[%add3A_215, %mul3A_41, %dma_start3A_235] : memref<200x16384x32xf32, #tpu.memory_space<hbm>> -> memref<1x128x32xf32, #tpu.memory_space<hbm>>
        %dma_start3A_237 = tpu.memref_squeeze %dma_start3A_236 : memref<1x128x32xf32, #tpu.memory_space<hbm>> -> memref<128x32xf32, #tpu.memory_space<hbm>>
        %dma_start3A_238 = arith.constant 0 : i32
        %dma_start3A_239 = tpu.memref_slice %arg4[%add3A_215, %mul3A_41, %dma_start3A_238] : memref<200x16384x32xf32, #tpu.memory_space<hbm>> -> memref<1x128x32xf32, #tpu.memory_space<hbm>>
        %dma_start3A_240 = tpu.memref_squeeze %dma_start3A_239 : memref<1x128x32xf32, #tpu.memory_space<hbm>> -> memref<128x32xf32, #tpu.memory_space<hbm>>
        %dma_start3A_241 = arith.constant 384 : i32
        %dma_start3A_242 = arith.constant 0 : i32
        %dma_start3A_243 = tpu.memref_slice %arg6[%dma_start3A_241, %dma_start3A_242] : memref<1024x32xf32, #tpu.memory_space<vmem>> -> memref<128x32xf32, #tpu.memory_space<vmem>>
        tpu.enqueue_dma source(%dma_start3A_243 : memref<128x32xf32, #tpu.memory_space<vmem>>) target(%dma_start3A_240 : memref<128x32xf32, #tpu.memory_space<hbm>>) target_semaphore(%run_scoped3A : memref<!tpu.dma_semaphore, #tpu.memory_space<semaphore_mem>>)
        %dma_wait3A_244 = arith.constant 384 : i32
        %dma_wait3A_245 = arith.constant 0 : i32
        %dma_wait3A_246 = tpu.memref_slice %arg6[%dma_wait3A_244, %dma_wait3A_245] : memref<1024x32xf32, #tpu.memory_space<vmem>> -> memref<128x32xf32, #tpu.memory_space<vmem>>
        %dma_wait3A_247 = arith.constant 0 : i32
        %dma_wait3A_248 = tpu.memref_slice %arg4[%add3A_215, %mul3A_41, %dma_wait3A_247] : memref<200x16384x32xf32, #tpu.memory_space<hbm>> -> memref<1x128x32xf32, #tpu.memory_space<hbm>>
        %dma_wait3A_249 = tpu.memref_squeeze %dma_wait3A_248 : memref<1x128x32xf32, #tpu.memory_space<hbm>> -> memref<128x32xf32, #tpu.memory_space<hbm>>
        %dma_wait3A_250 = arith.constant 0 : i32
        %dma_wait3A_251 = tpu.memref_slice %arg4[%add3A_215, %mul3A_41, %dma_wait3A_250] : memref<200x16384x32xf32, #tpu.memory_space<hbm>> -> memref<1x128x32xf32, #tpu.memory_space<hbm>>
        %dma_wait3A_252 = tpu.memref_squeeze %dma_wait3A_251 : memref<1x128x32xf32, #tpu.memory_space<hbm>> -> memref<128x32xf32, #tpu.memory_space<hbm>>
        %dma_wait3A_253 = arith.constant 384 : i32
        %dma_wait3A_254 = arith.constant 0 : i32
        %dma_wait3A_255 = tpu.memref_slice %arg6[%dma_wait3A_253, %dma_wait3A_254] : memref<1024x32xf32, #tpu.memory_space<vmem>> -> memref<128x32xf32, #tpu.memory_space<vmem>>
        tpu.wait_dma2 semaphore(%run_scoped3A : memref<!tpu.dma_semaphore, #tpu.memory_space<semaphore_mem>>) src(%dma_wait3A_255 : memref<128x32xf32, #tpu.memory_space<vmem>>) dst(%dma_wait3A_252 : memref<128x32xf32, #tpu.memory_space<hbm>>)
        tpu.yield
      }) : () -> ()
      %mul3A_216 = arith.constant 8 : i32
      %mul3A_217 = arith.muli %select_n3A, %mul3A_216 : i32
      %add3A_218 = arith.constant 4 : i32
      %add3A_219 = arith.addi %mul3A_217, %add3A_218 : i32
      "tpu.region"() ({
        %run_scoped3A = tpu.sem_alloc : memref<!tpu.dma_semaphore, #tpu.memory_space<semaphore_mem>>
        %dma_start3A_232 = arith.constant 512 : i32
        %dma_start3A_233 = arith.constant 0 : i32
        %dma_start3A_234 = tpu.memref_slice %arg6[%dma_start3A_232, %dma_start3A_233] : memref<1024x32xf32, #tpu.memory_space<vmem>> -> memref<128x32xf32, #tpu.memory_space<vmem>>
        %dma_start3A_235 = arith.constant 0 : i32
        %dma_start3A_236 = tpu.memref_slice %arg4[%add3A_219, %mul3A_41, %dma_start3A_235] : memref<200x16384x32xf32, #tpu.memory_space<hbm>> -> memref<1x128x32xf32, #tpu.memory_space<hbm>>
        %dma_start3A_237 = tpu.memref_squeeze %dma_start3A_236 : memref<1x128x32xf32, #tpu.memory_space<hbm>> -> memref<128x32xf32, #tpu.memory_space<hbm>>
        %dma_start3A_238 = arith.constant 0 : i32
        %dma_start3A_239 = tpu.memref_slice %arg4[%add3A_219, %mul3A_41, %dma_start3A_238] : memref<200x16384x32xf32, #tpu.memory_space<hbm>> -> memref<1x128x32xf32, #tpu.memory_space<hbm>>
        %dma_start3A_240 = tpu.memref_squeeze %dma_start3A_239 : memref<1x128x32xf32, #tpu.memory_space<hbm>> -> memref<128x32xf32, #tpu.memory_space<hbm>>
        %dma_start3A_241 = arith.constant 512 : i32
        %dma_start3A_242 = arith.constant 0 : i32
        %dma_start3A_243 = tpu.memref_slice %arg6[%dma_start3A_241, %dma_start3A_242] : memref<1024x32xf32, #tpu.memory_space<vmem>> -> memref<128x32xf32, #tpu.memory_space<vmem>>
        tpu.enqueue_dma source(%dma_start3A_243 : memref<128x32xf32, #tpu.memory_space<vmem>>) target(%dma_start3A_240 : memref<128x32xf32, #tpu.memory_space<hbm>>) target_semaphore(%run_scoped3A : memref<!tpu.dma_semaphore, #tpu.memory_space<semaphore_mem>>)
        %dma_wait3A_244 = arith.constant 512 : i32
        %dma_wait3A_245 = arith.constant 0 : i32
        %dma_wait3A_246 = tpu.memref_slice %arg6[%dma_wait3A_244, %dma_wait3A_245] : memref<1024x32xf32, #tpu.memory_space<vmem>> -> memref<128x32xf32, #tpu.memory_space<vmem>>
        %dma_wait3A_247 = arith.constant 0 : i32
        %dma_wait3A_248 = tpu.memref_slice %arg4[%add3A_219, %mul3A_41, %dma_wait3A_247] : memref<200x16384x32xf32, #tpu.memory_space<hbm>> -> memref<1x128x32xf32, #tpu.memory_space<hbm>>
        %dma_wait3A_249 = tpu.memref_squeeze %dma_wait3A_248 : memref<1x128x32xf32, #tpu.memory_space<hbm>> -> memref<128x32xf32, #tpu.memory_space<hbm>>
        %dma_wait3A_250 = arith.constant 0 : i32
        %dma_wait3A_251 = tpu.memref_slice %arg4[%add3A_219, %mul3A_41, %dma_wait3A_250] : memref<200x16384x32xf32, #tpu.memory_space<hbm>> -> memref<1x128x32xf32, #tpu.memory_space<hbm>>
        %dma_wait3A_252 = tpu.memref_squeeze %dma_wait3A_251 : memref<1x128x32xf32, #tpu.memory_space<hbm>> -> memref<128x32xf32, #tpu.memory_space<hbm>>
        %dma_wait3A_253 = arith.constant 512 : i32
        %dma_wait3A_254 = arith.constant 0 : i32
        %dma_wait3A_255 = tpu.memref_slice %arg6[%dma_wait3A_253, %dma_wait3A_254] : memref<1024x32xf32, #tpu.memory_space<vmem>> -> memref<128x32xf32, #tpu.memory_space<vmem>>
        tpu.wait_dma2 semaphore(%run_scoped3A : memref<!tpu.dma_semaphore, #tpu.memory_space<semaphore_mem>>) src(%dma_wait3A_255 : memref<128x32xf32, #tpu.memory_space<vmem>>) dst(%dma_wait3A_252 : memref<128x32xf32, #tpu.memory_space<hbm>>)
        tpu.yield
      }) : () -> ()
      %mul3A_220 = arith.constant 8 : i32
      %mul3A_221 = arith.muli %select_n3A, %mul3A_220 : i32
      %add3A_222 = arith.constant 5 : i32
      %add3A_223 = arith.addi %mul3A_221, %add3A_222 : i32
      "tpu.region"() ({
        %run_scoped3A = tpu.sem_alloc : memref<!tpu.dma_semaphore, #tpu.memory_space<semaphore_mem>>
        %dma_start3A_232 = arith.constant 640 : i32
        %dma_start3A_233 = arith.constant 0 : i32
        %dma_start3A_234 = tpu.memref_slice %arg6[%dma_start3A_232, %dma_start3A_233] : memref<1024x32xf32, #tpu.memory_space<vmem>> -> memref<128x32xf32, #tpu.memory_space<vmem>>
        %dma_start3A_235 = arith.constant 0 : i32
        %dma_start3A_236 = tpu.memref_slice %arg4[%add3A_223, %mul3A_41, %dma_start3A_235] : memref<200x16384x32xf32, #tpu.memory_space<hbm>> -> memref<1x128x32xf32, #tpu.memory_space<hbm>>
        %dma_start3A_237 = tpu.memref_squeeze %dma_start3A_236 : memref<1x128x32xf32, #tpu.memory_space<hbm>> -> memref<128x32xf32, #tpu.memory_space<hbm>>
        %dma_start3A_238 = arith.constant 0 : i32
        %dma_start3A_239 = tpu.memref_slice %arg4[%add3A_223, %mul3A_41, %dma_start3A_238] : memref<200x16384x32xf32, #tpu.memory_space<hbm>> -> memref<1x128x32xf32, #tpu.memory_space<hbm>>
        %dma_start3A_240 = tpu.memref_squeeze %dma_start3A_239 : memref<1x128x32xf32, #tpu.memory_space<hbm>> -> memref<128x32xf32, #tpu.memory_space<hbm>>
        %dma_start3A_241 = arith.constant 640 : i32
        %dma_start3A_242 = arith.constant 0 : i32
        %dma_start3A_243 = tpu.memref_slice %arg6[%dma_start3A_241, %dma_start3A_242] : memref<1024x32xf32, #tpu.memory_space<vmem>> -> memref<128x32xf32, #tpu.memory_space<vmem>>
        tpu.enqueue_dma source(%dma_start3A_243 : memref<128x32xf32, #tpu.memory_space<vmem>>) target(%dma_start3A_240 : memref<128x32xf32, #tpu.memory_space<hbm>>) target_semaphore(%run_scoped3A : memref<!tpu.dma_semaphore, #tpu.memory_space<semaphore_mem>>)
        %dma_wait3A_244 = arith.constant 640 : i32
        %dma_wait3A_245 = arith.constant 0 : i32
        %dma_wait3A_246 = tpu.memref_slice %arg6[%dma_wait3A_244, %dma_wait3A_245] : memref<1024x32xf32, #tpu.memory_space<vmem>> -> memref<128x32xf32, #tpu.memory_space<vmem>>
        %dma_wait3A_247 = arith.constant 0 : i32
        %dma_wait3A_248 = tpu.memref_slice %arg4[%add3A_223, %mul3A_41, %dma_wait3A_247] : memref<200x16384x32xf32, #tpu.memory_space<hbm>> -> memref<1x128x32xf32, #tpu.memory_space<hbm>>
        %dma_wait3A_249 = tpu.memref_squeeze %dma_wait3A_248 : memref<1x128x32xf32, #tpu.memory_space<hbm>> -> memref<128x32xf32, #tpu.memory_space<hbm>>
        %dma_wait3A_250 = arith.constant 0 : i32
        %dma_wait3A_251 = tpu.memref_slice %arg4[%add3A_223, %mul3A_41, %dma_wait3A_250] : memref<200x16384x32xf32, #tpu.memory_space<hbm>> -> memref<1x128x32xf32, #tpu.memory_space<hbm>>
        %dma_wait3A_252 = tpu.memref_squeeze %dma_wait3A_251 : memref<1x128x32xf32, #tpu.memory_space<hbm>> -> memref<128x32xf32, #tpu.memory_space<hbm>>
        %dma_wait3A_253 = arith.constant 640 : i32
        %dma_wait3A_254 = arith.constant 0 : i32
        %dma_wait3A_255 = tpu.memref_slice %arg6[%dma_wait3A_253, %dma_wait3A_254] : memref<1024x32xf32, #tpu.memory_space<vmem>> -> memref<128x32xf32, #tpu.memory_space<vmem>>
        tpu.wait_dma2 semaphore(%run_scoped3A : memref<!tpu.dma_semaphore, #tpu.memory_space<semaphore_mem>>) src(%dma_wait3A_255 : memref<128x32xf32, #tpu.memory_space<vmem>>) dst(%dma_wait3A_252 : memref<128x32xf32, #tpu.memory_space<hbm>>)
        tpu.yield
      }) : () -> ()
      %mul3A_224 = arith.constant 8 : i32
      %mul3A_225 = arith.muli %select_n3A, %mul3A_224 : i32
      %add3A_226 = arith.constant 6 : i32
      %add3A_227 = arith.addi %mul3A_225, %add3A_226 : i32
      "tpu.region"() ({
        %run_scoped3A = tpu.sem_alloc : memref<!tpu.dma_semaphore, #tpu.memory_space<semaphore_mem>>
        %dma_start3A_232 = arith.constant 768 : i32
        %dma_start3A_233 = arith.constant 0 : i32
        %dma_start3A_234 = tpu.memref_slice %arg6[%dma_start3A_232, %dma_start3A_233] : memref<1024x32xf32, #tpu.memory_space<vmem>> -> memref<128x32xf32, #tpu.memory_space<vmem>>
        %dma_start3A_235 = arith.constant 0 : i32
        %dma_start3A_236 = tpu.memref_slice %arg4[%add3A_227, %mul3A_41, %dma_start3A_235] : memref<200x16384x32xf32, #tpu.memory_space<hbm>> -> memref<1x128x32xf32, #tpu.memory_space<hbm>>
        %dma_start3A_237 = tpu.memref_squeeze %dma_start3A_236 : memref<1x128x32xf32, #tpu.memory_space<hbm>> -> memref<128x32xf32, #tpu.memory_space<hbm>>
        %dma_start3A_238 = arith.constant 0 : i32
        %dma_start3A_239 = tpu.memref_slice %arg4[%add3A_227, %mul3A_41, %dma_start3A_238] : memref<200x16384x32xf32, #tpu.memory_space<hbm>> -> memref<1x128x32xf32, #tpu.memory_space<hbm>>
        %dma_start3A_240 = tpu.memref_squeeze %dma_start3A_239 : memref<1x128x32xf32, #tpu.memory_space<hbm>> -> memref<128x32xf32, #tpu.memory_space<hbm>>
        %dma_start3A_241 = arith.constant 768 : i32
        %dma_start3A_242 = arith.constant 0 : i32
        %dma_start3A_243 = tpu.memref_slice %arg6[%dma_start3A_241, %dma_start3A_242] : memref<1024x32xf32, #tpu.memory_space<vmem>> -> memref<128x32xf32, #tpu.memory_space<vmem>>
        tpu.enqueue_dma source(%dma_start3A_243 : memref<128x32xf32, #tpu.memory_space<vmem>>) target(%dma_start3A_240 : memref<128x32xf32, #tpu.memory_space<hbm>>) target_semaphore(%run_scoped3A : memref<!tpu.dma_semaphore, #tpu.memory_space<semaphore_mem>>)
        %dma_wait3A_244 = arith.constant 768 : i32
        %dma_wait3A_245 = arith.constant 0 : i32
        %dma_wait3A_246 = tpu.memref_slice %arg6[%dma_wait3A_244, %dma_wait3A_245] : memref<1024x32xf32, #tpu.memory_space<vmem>> -> memref<128x32xf32, #tpu.memory_space<vmem>>
        %dma_wait3A_247 = arith.constant 0 : i32
        %dma_wait3A_248 = tpu.memref_slice %arg4[%add3A_227, %mul3A_41, %dma_wait3A_247] : memref<200x16384x32xf32, #tpu.memory_space<hbm>> -> memref<1x128x32xf32, #tpu.memory_space<hbm>>
        %dma_wait3A_249 = tpu.memref_squeeze %dma_wait3A_248 : memref<1x128x32xf32, #tpu.memory_space<hbm>> -> memref<128x32xf32, #tpu.memory_space<hbm>>
        %dma_wait3A_250 = arith.constant 0 : i32
        %dma_wait3A_251 = tpu.memref_slice %arg4[%add3A_227, %mul3A_41, %dma_wait3A_250] : memref<200x16384x32xf32, #tpu.memory_space<hbm>> -> memref<1x128x32xf32, #tpu.memory_space<hbm>>
        %dma_wait3A_252 = tpu.memref_squeeze %dma_wait3A_251 : memref<1x128x32xf32, #tpu.memory_space<hbm>> -> memref<128x32xf32, #tpu.memory_space<hbm>>
        %dma_wait3A_253 = arith.constant 768 : i32
        %dma_wait3A_254 = arith.constant 0 : i32
        %dma_wait3A_255 = tpu.memref_slice %arg6[%dma_wait3A_253, %dma_wait3A_254] : memref<1024x32xf32, #tpu.memory_space<vmem>> -> memref<128x32xf32, #tpu.memory_space<vmem>>
        tpu.wait_dma2 semaphore(%run_scoped3A : memref<!tpu.dma_semaphore, #tpu.memory_space<semaphore_mem>>) src(%dma_wait3A_255 : memref<128x32xf32, #tpu.memory_space<vmem>>) dst(%dma_wait3A_252 : memref<128x32xf32, #tpu.memory_space<hbm>>)
        tpu.yield
      }) : () -> ()
      %mul3A_228 = arith.constant 8 : i32
      %mul3A_229 = arith.muli %select_n3A, %mul3A_228 : i32
      %add3A_230 = arith.constant 7 : i32
      %add3A_231 = arith.addi %mul3A_229, %add3A_230 : i32
      "tpu.region"() ({
        %run_scoped3A = tpu.sem_alloc : memref<!tpu.dma_semaphore, #tpu.memory_space<semaphore_mem>>
        %dma_start3A_232 = arith.constant 896 : i32
        %dma_start3A_233 = arith.constant 0 : i32
        %dma_start3A_234 = tpu.memref_slice %arg6[%dma_start3A_232, %dma_start3A_233] : memref<1024x32xf32, #tpu.memory_space<vmem>> -> memref<128x32xf32, #tpu.memory_space<vmem>>
        %dma_start3A_235 = arith.constant 0 : i32
        %dma_start3A_236 = tpu.memref_slice %arg4[%add3A_231, %mul3A_41, %dma_start3A_235] : memref<200x16384x32xf32, #tpu.memory_space<hbm>> -> memref<1x128x32xf32, #tpu.memory_space<hbm>>
        %dma_start3A_237 = tpu.memref_squeeze %dma_start3A_236 : memref<1x128x32xf32, #tpu.memory_space<hbm>> -> memref<128x32xf32, #tpu.memory_space<hbm>>
        %dma_start3A_238 = arith.constant 0 : i32
        %dma_start3A_239 = tpu.memref_slice %arg4[%add3A_231, %mul3A_41, %dma_start3A_238] : memref<200x16384x32xf32, #tpu.memory_space<hbm>> -> memref<1x128x32xf32, #tpu.memory_space<hbm>>
        %dma_start3A_240 = tpu.memref_squeeze %dma_start3A_239 : memref<1x128x32xf32, #tpu.memory_space<hbm>> -> memref<128x32xf32, #tpu.memory_space<hbm>>
        %dma_start3A_241 = arith.constant 896 : i32
        %dma_start3A_242 = arith.constant 0 : i32
        %dma_start3A_243 = tpu.memref_slice %arg6[%dma_start3A_241, %dma_start3A_242] : memref<1024x32xf32, #tpu.memory_space<vmem>> -> memref<128x32xf32, #tpu.memory_space<vmem>>
        tpu.enqueue_dma source(%dma_start3A_243 : memref<128x32xf32, #tpu.memory_space<vmem>>) target(%dma_start3A_240 : memref<128x32xf32, #tpu.memory_space<hbm>>) target_semaphore(%run_scoped3A : memref<!tpu.dma_semaphore, #tpu.memory_space<semaphore_mem>>)
        %dma_wait3A_244 = arith.constant 896 : i32
        %dma_wait3A_245 = arith.constant 0 : i32
        %dma_wait3A_246 = tpu.memref_slice %arg6[%dma_wait3A_244, %dma_wait3A_245] : memref<1024x32xf32, #tpu.memory_space<vmem>> -> memref<128x32xf32, #tpu.memory_space<vmem>>
        %dma_wait3A_247 = arith.constant 0 : i32
        %dma_wait3A_248 = tpu.memref_slice %arg4[%add3A_231, %mul3A_41, %dma_wait3A_247] : memref<200x16384x32xf32, #tpu.memory_space<hbm>> -> memref<1x128x32xf32, #tpu.memory_space<hbm>>
        %dma_wait3A_249 = tpu.memref_squeeze %dma_wait3A_248 : memref<1x128x32xf32, #tpu.memory_space<hbm>> -> memref<128x32xf32, #tpu.memory_space<hbm>>
        %dma_wait3A_250 = arith.constant 0 : i32
        %dma_wait3A_251 = tpu.memref_slice %arg4[%add3A_231, %mul3A_41, %dma_wait3A_250] : memref<200x16384x32xf32, #tpu.memory_space<hbm>> -> memref<1x128x32xf32, #tpu.memory_space<hbm>>
        %dma_wait3A_252 = tpu.memref_squeeze %dma_wait3A_251 : memref<1x128x32xf32, #tpu.memory_space<hbm>> -> memref<128x32xf32, #tpu.memory_space<hbm>>
        %dma_wait3A_253 = arith.constant 896 : i32
        %dma_wait3A_254 = arith.constant 0 : i32
        %dma_wait3A_255 = tpu.memref_slice %arg6[%dma_wait3A_253, %dma_wait3A_254] : memref<1024x32xf32, #tpu.memory_space<vmem>> -> memref<128x32xf32, #tpu.memory_space<vmem>>
        tpu.wait_dma2 semaphore(%run_scoped3A : memref<!tpu.dma_semaphore, #tpu.memory_space<semaphore_mem>>) src(%dma_wait3A_255 : memref<128x32xf32, #tpu.memory_space<vmem>>) dst(%dma_wait3A_252 : memref<128x32xf32, #tpu.memory_space<hbm>>)
        tpu.yield
      }) : () -> ()
    }
    %scan3A_7 = arith.constant 100 : i32
    return
  }
}

</mosaic_0001>

<sc_bundles>
// kernel: kernel.3.cloned.1.call-start
scs
__scs_entry_jumppad:
0x0: {  	(pc) =	sbr.rel $0x88, $3  }
0x1: {  	(tag) =	ssettag $0x0;
	lr =	simm.s32 $0x1  }
0x2: {  	[smem:$0x3F9F] =	sst lr;
	_ =	strace $0xD0000000  }
0x3: {  	_ = 	snop  }
0x4: {  	_ = 	snop  }
0x5: {  	_ = 	snop  }
0x6: {  	_ = 	snop  }
0x7: {  	_ = 	snop  }
__scs_overlays_trampoline_lowered:
0x8: {  	[smem:$0x3FAE] =	sst s0  }
0x9: {  	[smem:$0x3FAF] =	sst s1  }
0xa: {  	[smem:$0x3FB0] =	sst s2  }
0xb: {  	[smem:$0x3FB1] =	sst s3  }
0xc: {  	[smem:$0x3FB2] =	sst s4  }
0xd: {  	[smem:$0x3FB3] =	sst s5  }
0xe: {  	[smem:$0x3FB4] =	sst s6  }
0xf: {  	[smem:$0x3FB5] =	sst s7  }
0x10: {  	[smem:$0x3FB6] =	sst s8  }
0x11: {  	[smem:$0x3FB7] =	sst s9;
	s0 =	simm.s32 @!p0 $0x0  }
0x12: {  	s1 =	sld [smem:$0x3F9D];
	s0 =	simm.s32 @p0 $0x1  }
0x13: {  	[smem:$0x3FB8] =	sst s0;
	s0 =	simm.s32 @!p1 $0x0  }
0x14: {  	s2 =	sld [smem:$0x3F9C];
	s0 =	simm.s32 @p1 $0x1  }
0x15: {  	[smem:$0x3FB9] =	sst s0;
	s0 =	simm.s32 @!p2 $0x0  }
0x16: {  	s3 =	sld [smem:$0x3FDB];
	s0 =	simm.s32 @p2 $0x1  }
0x17: {  	s4 =	simm.s32 $0x1BF5;
	[smem:$0x3FBB] =	sst s0  }
0x18: {  	s0 =	sld [smem:$0x3F9E];
	_ =	swait.ge [sflag:s4], $0x0  }
0x19: {  	s7 =	sld [smem:$0x3F9F]  }
0x1a: {  	s8 =	sadd.s32 $0xFFFFE003, lr  }
0x1b: {  	s9 =	sadd.s32 $0xFFFFFEF7, lr;
	s5 =	simm.s32 $0xFFFFFFFF;
	p2 =	slt.u32 s8, $0xFFFFF086  }
0x1c: {  	p1 =	slt.u32 s9, $0xF7A;
	s5 =	simm.s32 @!p2 $0x0  }
0x1d: {  	s5 =	simm.s32 @p1 $0x1;
	p0 =	seq.s32 s7, s2  }
0x1e: {  	s7 =	smul.u32 @!p0 $0xF7A, s2;
	p2 =	seq.s32 @!p0 s5, $0x0  }
0x1f: {  	s9 =	smul.u32 $0xF7A, s1;
	s8 =	simm.s32 @!p0 $0x1BF5;
	p2 =	por !p2, p0  }
0x20: {  	[sflag:s8] =	ssyncset.s32 @!p0 $0xFFFFF086;
	s6 =	sadd.s32 @!p0 s3, s7;
	s7 =	simm.s32 @!p0 $0x108  }
0x21: {  	s3 =	sadd.s32 s3, s9;
	s6 =	sadd.s32 @!p0 $0x88, s6;
	s7 =	simm.s32 @p2 $0x1082  }
0x22: {  	[simem:s7], [sflag:s8] =	dma.local @!p0 [hbm:s6], $0xF7A  }
0x23: {  	s9 =	sor.u32 $0xD0000000, s2;
	s6 =	simm.s32 $0x108;
	_ =	swait.ge @!p0 [sflag:s8], $0x0  }
0x24: {  	s3 =	sadd.s32 $0x88, s3;
	s6 =	simm.s32 @!p1 $0x1082;
	[sflag:s4] =	ssyncset.s32 $0xFFFFF086  }
0x25: {  	[simem:s6], [sflag:s4] =	dma.local [hbm:s3], $0xF7A  }
0x26: {  	[smem:$0x3F9F] =	sst s1;
	(tag) =	ssettag s2;
	_ =	strace s9  }
0x27: {  	s1 =	sld [smem:$0x3FAF]  }
0x28: {  	s2 =	sld [smem:$0x3FB0]  }
0x29: {  	s4 =	sld [smem:$0x3FB2]  }
0x2a: {  	p0 =	seq.s32 s5, $0x0;
	s5 =	sld [smem:$0x3FB3]  }
0x2b: {  	s6 =	sld [smem:$0x3FB4]  }
0x2c: {  	s7 =	sld [smem:$0x3FB5]  }
0x2d: {  	s3 =	simm.s32 $0x108;
	s8 =	sld [smem:$0x3FB6]  }
0x2e: {  	s3 =	simm.s32 @!p0 $0x1082;
	s9 =	sld [smem:$0x3FB7]  }
0x2f: {  	lr =	sadd.s32 s0, s3;
	s0 =	sld [smem:$0x3FAE]  }
0x30: {  	s3 =	sld [smem:$0x3FB1]  }
0x31: {  	[smem:$0x3FBA] =	sst s10  }
0x32: {  	s10 =	sld [smem:$0x3FB8];
	_ =	sdelay $0x3  }
0x33: {  	p0 =	seq.s32 s10, $0x1;
	s10 =	sld [smem:$0x3FBA];
	_ =	sdelay $0x3  }
0x34: {  	[smem:$0x3FBA] =	sst s10  }
0x35: {  	s10 =	sld [smem:$0x3FB9];
	_ =	sdelay $0x3  }
0x36: {  	p1 =	seq.s32 s10, $0x1;
	s10 =	sld [smem:$0x3FBA];
	_ =	sdelay $0x3  }
0x37: {  	[smem:$0x3FBA] =	sst s10  }
0x38: {  	s10 =	sld [smem:$0x3FBB]  }
0x39: {  	_ = 	snop;
	(pc) =	sbr.ind lr, $3  }
0x3a: {  	_ = 	snop  }
0x3b: {  	_ = 	snop  }
0x3c: {  	p2 =	seq.s32 s10, $0x1;
	s10 =	sld [smem:$0x3FBA]  }
0x3d: {  	_ =	shalt  }
0x3e: {  	_ =	shalt  }
0x3f: {  	_ =	shalt  }
0x40: {  	_ =	shalt  }
0x41: {  	_ =	shalt  }
0x42: {  	_ =	shalt  }
0x43: {  	_ =	shalt  }
0x44: {  	_ =	shalt  }
0x45: {  	_ =	shalt  }
0x46: {  	_ =	shalt  }
0x47: {  	_ =	shalt  }
0x48: {  	_ =	shalt  }
0x49: {  	_ =	shalt  }
0x4a: {  	_ =	shalt  }
0x4b: {  	_ =	shalt  }
0x4c: {  	_ =	shalt  }
0x4d: {  	_ =	shalt  }
0x4e: {  	_ =	shalt  }
0x4f: {  	_ =	shalt  }
0x50: {  	_ =	shalt  }
0x51: {  	_ =	shalt  }
0x52: {  	_ =	shalt  }
0x53: {  	_ =	shalt  }
0x54: {  	_ =	shalt  }
0x55: {  	_ =	shalt  }
0x56: {  	_ =	shalt  }
0x57: {  	_ =	shalt  }
0x58: {  	_ =	shalt  }
0x59: {  	_ =	shalt  }
0x5a: {  	_ =	shalt  }
0x5b: {  	_ =	shalt  }
0x5c: {  	_ =	shalt  }
0x5d: {  	_ =	shalt  }
0x5e: {  	_ =	shalt  }
0x5f: {  	_ =	shalt  }
0x60: {  	_ =	shalt  }
0x61: {  	_ =	shalt  }
0x62: {  	_ =	shalt  }
0x63: {  	_ =	shalt  }
0x64: {  	_ =	shalt  }
0x65: {  	_ =	shalt  }
0x66: {  	_ =	shalt  }
0x67: {  	_ =	shalt  }
0x68: {  	_ =	shalt  }
0x69: {  	_ =	shalt  }
0x6a: {  	_ =	shalt  }
0x6b: {  	_ =	shalt  }
0x6c: {  	_ =	shalt  }
0x6d: {  	_ =	shalt  }
0x6e: {  	_ =	shalt  }
0x6f: {  	_ =	shalt  }
0x70: {  	_ =	shalt  }
0x71: {  	_ =	shalt  }
0x72: {  	_ =	shalt  }
0x73: {  	_ =	shalt  }
0x74: {  	_ =	shalt  }
0x75: {  	_ =	shalt  }
0x76: {  	_ =	shalt  }
0x77: {  	_ =	shalt  }
0x78: {  	_ =	shalt  }
0x79: {  	_ =	shalt  }
0x7a: {  	_ =	shalt  }
0x7b: {  	_ =	shalt  }
0x7c: {  	_ =	shalt  }
0x7d: {  	_ =	shalt  }
0x7e: {  	_ =	shalt  }
0x7f: {  	_ =	shalt  }
0x80: {  	_ =	shalt  }
0x81: {  	_ =	shalt  }
0x82: {  	_ =	shalt  }
0x83: {  	_ =	shalt  }
0x84: {  	_ =	shalt  }
0x85: {  	_ =	shalt  }
0x86: {  	_ =	shalt  }
0x87: {  	_ =	shalt  }
.Lfunc_end0:
.L_simem_size_0:
called_computation.1_lowered:
.L_overlay_start_0:
0x88: {  	s2 =	sld [smem:$0x3FD9]  }
0x89: {  	s3 =	sld [smem:$0x3FFE];
	_ =	sdelay $0x1  }
0x8a: {  	s1 =	srdreg.scid  }
0x8b: {  	s0 =	sand.u32 $0x1, s1  }
0x8c: {  	s17 =	sshll.u32 s0, $0xA;
	s2 =	sadd.s32 s3, s2  }
0x8d: {  	s2 =	sadd.s32 s2, s17  }
0x8e: {  	[smem:$0x3FC6] =	sst s2  }
0x8f: {  	_ = 	snop  }
0x90: {  	s2 =	sld [smem:$0x3FC9]  }
0x91: {  	s18 =	sld [smem:$0x3FD0];
	(tm) =	ssettm $0x1  }
0x92: {  	s4 =	sld [smem:$0x3FFB];
	_ =	sdelay $0x3  }
0x93: {  	_ =	strace s4  }
0x94: {  	s4 =	sld [smem:$0x3FFC];
	_ =	sdelay $0x3  }
0x95: {  	_ =	strace s4  }
0x96: {  	s4 =	sld [smem:$0x3FFD];
	_ =	sdelay $0x3  }
0x97: {  	_ =	strace s4  }
0x98: {  	_ =	strace $0x8FFFFFFF  }
0x99: {  	s19 =	sld [smem:$0x3FDB];
	_ =	sdelay $0x1  }
0x9a: {  	s5 =	simm.s32 $_scs_section_size  }
0x9b: {  	s6 =	simm.s32 $_size__tile_overlayer_lowered;
	s7 =	simm.s32 $_tile_overlayer_lowered  }
0x9c: {  	s22 =	simm.s32 $0x1BFF;
	s21 =	sshll.u32 s7, $0x1;
	s4 =	sadd.s32 s5, s19  }
0x9d: {  	s8 =	simm.s32 $0x0;
	s20 =	sshll.u32 s6, $0x1;
	s6 =	sadd.s32 s21, s4  }
0x9e: {  	[timem:s8], [sflag:s22] =	dma.local [hbm:s6], s20  }
0x9f: {  	_ =	swait.ge [sflag:s22], s20  }
0xa0: {  	s5 =	ssub.s32 $0x0, s20;
	[sflag:s22] =	ssyncset.done $0x0  }
0xa1: {  	[sflag:s22] =	ssyncadd.s32 s5;
	_ =	sdelay $0x1  }
0xa2: {  	s23 =	simm.s32 $0x1B8B  }
0xa3: {  	_ =	swait.ge [sflag:s23], $0x1  }
0xa4: {  	[sflag:s23] =	ssyncset.done $0x0  }
0xa5: {  	s25 =	simm.s32 $0x1B8E;
	s24 =	sld [smem:$0x3FFE];
	[sflag:s23] =	ssyncadd.s32 $0xFFFFFFFF  }
0xa6: {  	s26 =	simm.s32 $execute0_lowered;
	[smem:$0x3FD2] =	sst s25  }
0xa7: {  	s6 =	sshll.u32 s26, $0x1;
	_ =	strace $0x80000046;
	[dreg:$0x1] =	wrdreg $0xFFFFFFFF  }
0xa8: {  	s28 =	simm.s32 $_size_execute0_lowered;
	s4 =	sadd.s32 s4, s6;
	[dreg:$0x0] =	wrdreg $0x0  }
0xa9: {  	s6 =	sshll.u32 s28, $0x1;
	[dreg:$0x2] =	wrdreg s4  }
0xaa: {  	[dreg:$0x3] =	wrdreg s6  }
0xab: {  	[dreg:$0x4] =	wrdreg $0xC0  }
0xac: {  	_ =	task [dreg:s8], $0x5FFFF  }
0xad: {  	[dreg:$0x1] =	wrdreg $0xFFFFFFFF  }
0xae: {  	[dreg:$0x0] =	wrdreg $0x60  }
0xaf: {  	[dreg:$0x2] =	wrdreg s2  }
0xb0: {  	[dreg:$0x3] =	wrdreg s24  }
0xb1: {  	[dreg:$0x4] =	wrdreg s18  }
0xb2: {  	[dreg:$0x5] =	wrdreg $0x9  }
0xb3: {  	_ =	task.clear_ibuf [dreg:s8], $0x6FFFF;
	_ =	strace $0x90000046  }
0xb4: {  	s29 =	simm.s32 $0x9;
	_ =	strace $0x80000048  }
0xb5: {  	_ =	swait.ge [sflag:s29], $0x1  }
0xb6: {  	[sflag:s29] =	ssyncadd.s32 $0xFFFFFFFF  }
0xb7: {  	_ =	strace $0x90000048  }
0xb8: {  	_ =	sfence  }
0xb9: {  	s30 =	sld [smem:$0x0];
	_ =	sdelay $0x2  }
0xba: {  	s31 =	sshll.u32 s1, $0xD;
	s1 =	sshrl.u32 s1, $0x2  }
0xbb: {  	s3 =	sand.u32 $0x4000, s31;
	s1 =	sadd.s32 s1, s30  }
0xbc: {  	s0 =	sor.u32 s3, s0;
	s1 =	sshll.u32 s1, $0x11  }
0xbd: {  	s0 =	sor.u32 s1, s0  }
0xbe: {  	s0 =	sadd.s32 $0x8F2B, s0  }
0xbf: {  	[sflag:s0] =	ssyncadd.remote.s32 $0x1  }
0xc0: {  	_ =	sfence.sel $0xFFFF  }
0xc1: {  	[dreg:$0x0] =	wrdreg $0xFFFFFFFF;
	(pc) =	sbr.abs _section_cstart, $3  }
0xc2: {  	[dreg:$0x1] =	wrdreg $0xFFFFFFFF  }
0xc3: {  	_ =	task.clear_ibuf [dreg:s8], $0x2FFFF;
	_ =	strace $0x9FFFFFFF  }
0xc4: {  	(tm) =	ssettm $0x7FFFFFFF  }
0xc5: {  	_ =	shalt  }
tec
execute0_lowered:
.L_overlay_start_1:
0x0: {  	(tag) =	ssettag $0x1  }
0x1: {  	s0 =	rddreg [dreg:$0x0]  }
0x2: {  	s4 =	rddreg [dreg:$0x1]  }
0x3: {  	s1 =	rddreg [dreg:$0x2];
	s5 =	srdreg.scid  }
0x4: {  	s2 =	simm.s32 $0x0;
	s3 =	stileid.u32;
	[dreg:$0x4] =	wrdreg s0  }
0x5: {  	s31 =	simm.s32 $0x100;
	s10 =	simm.s32 $0x180;
	s0 =	rddreg [dreg:$0x3]  }
0x6: {  	s11 =	simm.s32 $0x200;
	[smem:$0x7FF] =	sst s2;
	s6 =	sadd.s32 $0x10000, s1  }
0x7: {  	s23 =	sadd.s32 $0x20000, s1;
	_ =	strace $0x80000047;
	[dreg:$0x5] =	wrdreg s6  }
0x8: {  	s12 =	simm.s32 $0x280;
	s24 =	sadd.s32 $0x30000, s1;
	[dreg:$0x6] =	wrdreg s23  }
0x9: {  	s13 =	simm.s32 $0x300;
	s25 =	sadd.s32 $0x40000, s1;
	[dreg:$0x7] =	wrdreg s24  }
0xa: {  	s15 =	simm.s32 $0x380;
	s26 =	sadd.s32 $0x50000, s1;
	[dreg:$0x8] =	wrdreg s25  }
0xb: {  	s14 =	simm.s32 $0x6400;
	s28 =	sadd.s32 $0x60000, s1;
	[dreg:$0x9] =	wrdreg s26  }
0xc: {  	s16 =	simm.s32 $0x1;
	s29 =	sadd.s32 $0x70000, s1;
	[dreg:$0xa] =	wrdreg s28  }
0xd: {  	s17 =	simm.s32 $0x0;
	s5 =	sand.u32 $0x1, s5;
	[dreg:$0xb] =	wrdreg s29  }
0xe: {  	s8 =	smul.u32 $0xC8, s3;
	s4 =	sadd.s32 $0xF42C00, s4;
	[dreg:$0xd] =	wrdreg s31  }
0xf: {  	s7 =	ssub.s32 $0x2, s5;
	s5 =	smul.u32 $0x64, s5;
	[dreg:$0xe] =	wrdreg s10  }
0x10: {  	s6 =	simm.s32 $0x2;
	s10 =	simm.s32 $0x2400;
	[dreg:$0xf] =	wrdreg s11  }
0x11: {  	s11 =	simm.s32 $0x3400;
	[dreg:$0x10] =	wrdreg s12;
	s12 =	simm.s32 $0x4400  }
0x12: {  	[dreg:$0x11] =	wrdreg s13;
	s13 =	simm.s32 $0x5400;
	s9 =	sshrl.u32 s7, $0x1  }
0x13: {  	[dreg:$0x12] =	wrdreg s15;
	s15 =	simm.s32 $0x7400;
	s7 =	ssub.s32 s7, s9  }
0x14: {  	s30 =	sadd.s32 s5, s8;
	s8 =	simm.s32 $0x400;
	s9 =	simm.s32 $0x1400  }
0x15: {  	s5 =	smax.u32 s7, $0x1;
	[dreg:$0xc] =	wrdreg s30;
	s7 =	simm.s32 $0x80  }
.LBB2_1:
0x16: {  	s18 =	rddreg [dreg:$0xc]  }
0x17: {  	s18 =	sadd.s32 $0x0, s18  }
0x18: {  	s20 =	sand.u32 $0x7F, s18  }
0x19: {  	s19 =	rddreg [dreg:$0x4];
	s18 =	sshrl.u32 s18, $0x7;
	s21 =	sshll.u32 s20, $0x7  }
0x1a: {  	s22 =	sshll.u32 s18, $0xE;
	s19 =	sadd.s32 s19, s21  }
0x1b: {  	s19 =	sadd.s32 s22, s19  }
0x1c: {  	[tilespmem:s2], [sflag:$0x2] =	stream.linear.gather [hbm4b:s19+s2], $0x400, $0x38;
	[tilespmem:$0x8400] =	vst v63  }
0x1d: {  	_ =	swait.ge [sflag:s6], $0x400  }
0x1e: {  	[sflag:s6] =	ssyncset.done $0x0  }
0x1f: {  	[sflag:s6] =	ssyncadd.s32 $0xFFFFFC00  }
0x20: {  	[tilespmem:s8], [sflag:$0x1] =	stream.indirect.gather [hbm4b:s4+s7], $0x20, s2, s7, $0xb8;
	[tilespmem:$0x8400] =	vst v63  }
0x21: {  	_ = 	snop  }
0x22: {  	[tilespmem:s9], [sflag:$0x1] =	stream.indirect.gather [hbm4b:s4+s7], $0x20, s7, s7, $0xb8;
	[tilespmem:$0x8400] =	vst v63  }
0x23: {  	s26 =	rddreg [dreg:$0xd]  }
0x24: {  	[tilespmem:s10], [sflag:$0x1] =	stream.indirect.gather [hbm4b:s4+s7], $0x20, s26, s7, $0xb8;
	[tilespmem:$0x8400] =	vst v63  }
0x25: {  	s28 =	rddreg [dreg:$0xe]  }
0x26: {  	[tilespmem:s11], [sflag:$0x1] =	stream.indirect.gather [hbm4b:s4+s7], $0x20, s28, s7, $0xb8;
	[tilespmem:$0x8400] =	vst v63  }
0x27: {  	s29 =	rddreg [dreg:$0xf]  }
0x28: {  	[tilespmem:s12], [sflag:$0x1] =	stream.indirect.gather [hbm4b:s4+s7], $0x20, s29, s7, $0xb8;
	[tilespmem:$0x8400] =	vst v63  }
0x29: {  	s30 =	rddreg [dreg:$0x10]  }
0x2a: {  	[tilespmem:s13], [sflag:$0x1] =	stream.indirect.gather [hbm4b:s4+s7], $0x20, s30, s7, $0xb8;
	[tilespmem:$0x8400] =	vst v63  }
0x2b: {  	s31 =	rddreg [dreg:$0x11]  }
0x2c: {  	[tilespmem:s14], [sflag:$0x1] =	stream.indirect.gather [hbm4b:s4+s7], $0x20, s31, s7, $0xb8;
	[tilespmem:$0x8400] =	vst v63  }
0x2d: {  	s22 =	rddreg [dreg:$0x12]  }
0x2e: {  	[tilespmem:s15], [sflag:$0x1] =	stream.indirect.gather [hbm4b:s4+s7], $0x20, s22, s7, $0xb8;
	[tilespmem:$0x8400] =	vst v63  }
0x2f: {  	_ =	swait.ge [sflag:s16], $0x1000  }
0x30: {  	[sflag:s16] =	ssyncset.done $0x0  }
0x31: {  	[sflag:s16] =	ssyncadd.s32 $0xFFFFF000  }
0x32: {  	_ =	swait.ge [sflag:s16], $0x1000  }
0x33: {  	[sflag:s16] =	ssyncset.done $0x0  }
0x34: {  	[sflag:s16] =	ssyncadd.s32 $0xFFFFF000  }
0x35: {  	_ =	swait.ge [sflag:s16], $0x1000  }
0x36: {  	[sflag:s16] =	ssyncset.done $0x0  }
0x37: {  	[sflag:s16] =	ssyncadd.s32 $0xFFFFF000  }
0x38: {  	_ =	swait.ge [sflag:s16], $0x1000  }
0x39: {  	[sflag:s16] =	ssyncset.done $0x0  }
0x3a: {  	[sflag:s16] =	ssyncadd.s32 $0xFFFFF000  }
0x3b: {  	_ =	swait.ge [sflag:s16], $0x1000  }
0x3c: {  	[sflag:s16] =	ssyncset.done $0x0  }
0x3d: {  	[sflag:s16] =	ssyncadd.s32 $0xFFFFF000  }
0x3e: {  	_ =	swait.ge [sflag:s16], $0x1000  }
0x3f: {  	[sflag:s16] =	ssyncset.done $0x0  }
0x40: {  	[sflag:s16] =	ssyncadd.s32 $0xFFFFF000  }
0x41: {  	_ =	swait.ge [sflag:s16], $0x1000  }
0x42: {  	[sflag:s16] =	ssyncset.done $0x0  }
0x43: {  	[sflag:s16] =	ssyncadd.s32 $0xFFFFF000  }
0x44: {  	s18 =	sshll.u32 s18, $0x13;
	s23 =	sshll.u32 s20, $0x9;
	_ =	swait.ge [sflag:s16], $0x1000  }
0x45: {  	s18 =	sor.u32 s23, s18;
	[sflag:s16] =	ssyncset.done $0x0  }
0x46: {  	s19 =	sadd.s32 s1, s18;
	[sflag:s16] =	ssyncadd.s32 $0xFFFFF000  }
0x47: {  	[hbm4b:s19+s2] =	stream.linear.scatter [tilespmem:s8], [sflag:$0x2], $0x1000, $0x38;
	[tilespmem:$0x8400] =	vst v63  }
0x48: {  	_ =	swait.ge [sflag:s6], $0x1000  }
0x49: {  	s24 =	rddreg [dreg:$0x5];
	[sflag:s6] =	ssyncset.done $0x0  }
0x4a: {  	[sflag:s6] =	ssyncadd.s32 $0xFFFFF000;
	s19 =	sadd.s32 s18, s24  }
0x4b: {  	[hbm4b:s19+s2] =	stream.linear.scatter [tilespmem:s9], [sflag:$0x2], $0x1000, $0x38;
	[tilespmem:$0x8400] =	vst v63  }
0x4c: {  	_ =	swait.ge [sflag:s6], $0x1000  }
0x4d: {  	s25 =	rddreg [dreg:$0x6];
	[sflag:s6] =	ssyncset.done $0x0  }
0x4e: {  	[sflag:s6] =	ssyncadd.s32 $0xFFFFF000;
	s19 =	sadd.s32 s18, s25  }
0x4f: {  	[hbm4b:s19+s2] =	stream.linear.scatter [tilespmem:s10], [sflag:$0x2], $0x1000, $0x38;
	[tilespmem:$0x8400] =	vst v63  }
0x50: {  	_ =	swait.ge [sflag:s6], $0x1000  }
0x51: {  	s26 =	rddreg [dreg:$0x7];
	[sflag:s6] =	ssyncset.done $0x0  }
0x52: {  	[sflag:s6] =	ssyncadd.s32 $0xFFFFF000;
	s19 =	sadd.s32 s18, s26  }
0x53: {  	[hbm4b:s19+s2] =	stream.linear.scatter [tilespmem:s11], [sflag:$0x2], $0x1000, $0x38;
	[tilespmem:$0x8400] =	vst v63  }
0x54: {  	_ =	swait.ge [sflag:s6], $0x1000  }
0x55: {  	s28 =	rddreg [dreg:$0x8];
	[sflag:s6] =	ssyncset.done $0x0  }
0x56: {  	[sflag:s6] =	ssyncadd.s32 $0xFFFFF000;
	s19 =	sadd.s32 s18, s28  }
0x57: {  	[hbm4b:s19+s2] =	stream.linear.scatter [tilespmem:s12], [sflag:$0x2], $0x1000, $0x38;
	[tilespmem:$0x8400] =	vst v63  }
0x58: {  	_ =	swait.ge [sflag:s6], $0x1000  }
0x59: {  	s29 =	rddreg [dreg:$0x9];
	[sflag:s6] =	ssyncset.done $0x0  }
0x5a: {  	[sflag:s6] =	ssyncadd.s32 $0xFFFFF000;
	s19 =	sadd.s32 s18, s29  }
0x5b: {  	[hbm4b:s19+s2] =	stream.linear.scatter [tilespmem:s13], [sflag:$0x2], $0x1000, $0x38;
	[tilespmem:$0x8400] =	vst v63  }
0x5c: {  	_ =	swait.ge [sflag:s6], $0x1000  }
0x5d: {  	s30 =	rddreg [dreg:$0xa];
	[sflag:s6] =	ssyncset.done $0x0  }
0x5e: {  	[sflag:s6] =	ssyncadd.s32 $0xFFFFF000;
	s19 =	sadd.s32 s18, s30  }
0x5f: {  	[hbm4b:s19+s2] =	stream.linear.scatter [tilespmem:s14], [sflag:$0x2], $0x1000, $0x38;
	[tilespmem:$0x8400] =	vst v63  }
0x60: {  	_ =	swait.ge [sflag:s6], $0x1000  }
0x61: {  	s31 =	rddreg [dreg:$0xb];
	[sflag:s6] =	ssyncset.done $0x0  }
0x62: {  	[sflag:s6] =	ssyncadd.s32 $0xFFFFF000;
	s18 =	sadd.s32 s18, s31  }
0x63: {  	[hbm4b:s18+s2] =	stream.linear.scatter [tilespmem:s15], [sflag:$0x2], $0x1000, $0x38;
	[tilespmem:$0x8400] =	vst v63  }
0x64: {  	s19 =	simm.s32 $0x2;
	_ =	swait.ge [sflag:s6], $0x1000  }
0x65: {  	s18 =	simm.s32 $0x1;
	s20 =	rddreg [dreg:$0xc];
	[sflag:s6] =	ssyncset.done $0x0  }
.LBB2_2:
0x66: {  	s20 =	sadd.s32 s18, s20  }
0x67: {  	s31 =	sand.u32 $0x7F, s20  }
0x68: {  	s22 =	rddreg [dreg:$0x4];
	s23 =	sshrl.u32 s20, $0x7;
	s24 =	sshll.u32 s31, $0x7  }
0x69: {  	s20 =	sshll.u32 s23, $0x13;
	s23 =	sshll.u32 s23, $0xE;
	s22 =	sadd.s32 s22, s24  }
0x6a: {  	[sflag:s6] =	ssyncadd.s32 $0xFFFFF000;
	s22 =	sadd.s32 s23, s22  }
0x6b: {  	[tilespmem:s2], [sflag:$0x2] =	stream.linear.gather [hbm4b:s22+s2], $0x400, $0x38;
	[tilespmem:$0x8400] =	vst v63  }
0x6c: {  	_ =	swait.ge [sflag:s6], $0x400  }
0x6d: {  	[sflag:s6] =	ssyncset.done $0x0  }
0x6e: {  	[sflag:s6] =	ssyncadd.s32 $0xFFFFFC00  }
0x6f: {  	[tilespmem:s8], [sflag:$0x1] =	stream.indirect.gather [hbm4b:s4+s7], $0x20, s2, s7, $0xb8;
	[tilespmem:$0x8400] =	vst v63  }
0x70: {  	_ = 	snop  }
0x71: {  	[tilespmem:s9], [sflag:$0x1] =	stream.indirect.gather [hbm4b:s4+s7], $0x20, s7, s7, $0xb8;
	[tilespmem:$0x8400] =	vst v63  }
0x72: {  	s25 =	rddreg [dreg:$0xd]  }
0x73: {  	[tilespmem:s10], [sflag:$0x1] =	stream.indirect.gather [hbm4b:s4+s7], $0x20, s25, s7, $0xb8;
	[tilespmem:$0x8400] =	vst v63  }
0x74: {  	s26 =	rddreg [dreg:$0xe]  }
0x75: {  	[tilespmem:s11], [sflag:$0x1] =	stream.indirect.gather [hbm4b:s4+s7], $0x20, s26, s7, $0xb8;
	[tilespmem:$0x8400] =	vst v63  }
0x76: {  	s28 =	rddreg [dreg:$0xf]  }
0x77: {  	[tilespmem:s12], [sflag:$0x1] =	stream.indirect.gather [hbm4b:s4+s7], $0x20, s28, s7, $0xb8;
	[tilespmem:$0x8400] =	vst v63  }
0x78: {  	s29 =	rddreg [dreg:$0x10]  }
0x79: {  	[tilespmem:s13], [sflag:$0x1] =	stream.indirect.gather [hbm4b:s4+s7], $0x20, s29, s7, $0xb8;
	[tilespmem:$0x8400] =	vst v63  }
0x7a: {  	s21 =	smov.u32 s19;
	s30 =	rddreg [dreg:$0x11]  }
0x7b: {  	[tilespmem:s14], [sflag:$0x1] =	stream.indirect.gather [hbm4b:s4+s7], $0x20, s30, s7, $0xb8;
	[tilespmem:$0x8400] =	vst v63  }
0x7c: {  	s18 =	smov.u32 s21;
	s21 =	sshll.u32 s31, $0x9;
	s31 =	rddreg [dreg:$0x12]  }
0x7d: {  	[tilespmem:s15], [sflag:$0x1] =	stream.indirect.gather [hbm4b:s4+s7], $0x20, s31, s7, $0xb8;
	[tilespmem:$0x8400] =	vst v63  }
0x7e: {  	_ =	swait.ge [sflag:s16], $0x1000  }
0x7f: {  	[sflag:s16] =	ssyncset.done $0x0  }
0x80: {  	[sflag:s16] =	ssyncadd.s32 $0xFFFFF000  }
0x81: {  	_ =	swait.ge [sflag:s16], $0x1000  }
0x82: {  	[sflag:s16] =	ssyncset.done $0x0  }
0x83: {  	[sflag:s16] =	ssyncadd.s32 $0xFFFFF000  }
0x84: {  	_ =	swait.ge [sflag:s16], $0x1000  }
0x85: {  	[sflag:s16] =	ssyncset.done $0x0  }
0x86: {  	[sflag:s16] =	ssyncadd.s32 $0xFFFFF000  }
0x87: {  	_ =	swait.ge [sflag:s16], $0x1000  }
0x88: {  	[sflag:s16] =	ssyncset.done $0x0  }
0x89: {  	[sflag:s16] =	ssyncadd.s32 $0xFFFFF000  }
0x8a: {  	_ =	swait.ge [sflag:s16], $0x1000  }
0x8b: {  	[sflag:s16] =	ssyncset.done $0x0  }
0x8c: {  	[sflag:s16] =	ssyncadd.s32 $0xFFFFF000  }
0x8d: {  	_ =	swait.ge [sflag:s16], $0x1000  }
0x8e: {  	[sflag:s16] =	ssyncset.done $0x0  }
0x8f: {  	[sflag:s16] =	ssyncadd.s32 $0xFFFFF000  }
0x90: {  	_ =	swait.ge [sflag:s16], $0x1000  }
0x91: {  	[sflag:s16] =	ssyncset.done $0x0  }
0x92: {  	[sflag:s16] =	ssyncadd.s32 $0xFFFFF000  }
0x93: {  	_ =	swait.ge [sflag:s16], $0x1000  }
0x94: {  	s20 =	sor.u32 s21, s20;
	[sflag:s16] =	ssyncset.done $0x0  }
0x95: {  	s21 =	sadd.s32 s1, s20;
	[sflag:s16] =	ssyncadd.s32 $0xFFFFF000  }
0x96: {  	[hbm4b:s21+s2] =	stream.linear.scatter [tilespmem:s8], [sflag:$0x2], $0x1000, $0x38;
	[tilespmem:$0x8400] =	vst v63  }
0x97: {  	_ =	swait.ge [sflag:s6], $0x1000  }
0x98: {  	s24 =	rddreg [dreg:$0x5];
	[sflag:s6] =	ssyncset.done $0x0  }
0x99: {  	[sflag:s6] =	ssyncadd.s32 $0xFFFFF000;
	s21 =	sadd.s32 s20, s24  }
0x9a: {  	[hbm4b:s21+s2] =	stream.linear.scatter [tilespmem:s9], [sflag:$0x2], $0x1000, $0x38;
	[tilespmem:$0x8400] =	vst v63  }
0x9b: {  	_ =	swait.ge [sflag:s6], $0x1000  }
0x9c: {  	s25 =	rddreg [dreg:$0x6];
	[sflag:s6] =	ssyncset.done $0x0  }
0x9d: {  	[sflag:s6] =	ssyncadd.s32 $0xFFFFF000;
	s21 =	sadd.s32 s20, s25  }
0x9e: {  	[hbm4b:s21+s2] =	stream.linear.scatter [tilespmem:s10], [sflag:$0x2], $0x1000, $0x38;
	[tilespmem:$0x8400] =	vst v63  }
0x9f: {  	_ =	swait.ge [sflag:s6], $0x1000  }
0xa0: {  	s26 =	rddreg [dreg:$0x7];
	[sflag:s6] =	ssyncset.done $0x0  }
0xa1: {  	[sflag:s6] =	ssyncadd.s32 $0xFFFFF000;
	s21 =	sadd.s32 s20, s26  }
0xa2: {  	[hbm4b:s21+s2] =	stream.linear.scatter [tilespmem:s11], [sflag:$0x2], $0x1000, $0x38;
	[tilespmem:$0x8400] =	vst v63  }
0xa3: {  	_ =	swait.ge [sflag:s6], $0x1000  }
0xa4: {  	s28 =	rddreg [dreg:$0x8];
	[sflag:s6] =	ssyncset.done $0x0  }
0xa5: {  	[sflag:s6] =	ssyncadd.s32 $0xFFFFF000;
	s21 =	sadd.s32 s20, s28  }
0xa6: {  	[hbm4b:s21+s2] =	stream.linear.scatter [tilespmem:s12], [sflag:$0x2], $0x1000, $0x38;
	[tilespmem:$0x8400] =	vst v63  }
0xa7: {  	_ =	swait.ge [sflag:s6], $0x1000  }
0xa8: {  	s29 =	rddreg [dreg:$0x9];
	[sflag:s6] =	ssyncset.done $0x0  }
0xa9: {  	[sflag:s6] =	ssyncadd.s32 $0xFFFFF000;
	s21 =	sadd.s32 s20, s29  }
0xaa: {  	[hbm4b:s21+s2] =	stream.linear.scatter [tilespmem:s13], [sflag:$0x2], $0x1000, $0x38;
	[tilespmem:$0x8400] =	vst v63  }
0xab: {  	_ =	swait.ge [sflag:s6], $0x1000  }
0xac: {  	s30 =	rddreg [dreg:$0xa];
	[sflag:s6] =	ssyncset.done $0x0  }
0xad: {  	[sflag:s6] =	ssyncadd.s32 $0xFFFFF000;
	s21 =	sadd.s32 s20, s30  }
0xae: {  	[hbm4b:s21+s2] =	stream.linear.scatter [tilespmem:s14], [sflag:$0x2], $0x1000, $0x38;
	[tilespmem:$0x8400] =	vst v63  }
0xaf: {  	p0 =	sne.s32 s19, $0x63;
	_ =	swait.ge [sflag:s6], $0x1000  }
.Ltmp0:
0xb0: {  	s31 =	rddreg [dreg:$0xb];
	[sflag:s6] =	ssyncset.done $0x0;
	(pc) =	sbr.rel @p0 .LBB2_2-.Ltmp0, $4  }
0xb1: {  	[sflag:s6] =	ssyncadd.s32 $0xFFFFF000;
	s20 =	sadd.s32 s20, s31  }
0xb2: {  	[hbm4b:s20+s2] =	stream.linear.scatter [tilespmem:s15], [sflag:$0x2], $0x1000, $0x38;
	[tilespmem:$0x8400] =	vst v63  }
0xb3: {  	_ =	swait.ge [sflag:s6], $0x1000  }
0xb4: {  	s19 =	sadd.s32 $0x1, s19;
	s20 =	rddreg [dreg:$0xc];
	[sflag:s6] =	ssyncset.done $0x0  }
0xb5: {  	s18 =	sadd.s32 s18, s20  }
0xb6: {  	s20 =	sand.u32 $0x7F, s18  }
0xb7: {  	s19 =	rddreg [dreg:$0x4];
	s18 =	sshrl.u32 s18, $0x7;
	s21 =	sshll.u32 s20, $0x7  }
0xb8: {  	s22 =	sshll.u32 s18, $0xE;
	s19 =	sadd.s32 s19, s21  }
0xb9: {  	[sflag:s6] =	ssyncadd.s32 $0xFFFFF000;
	s19 =	sadd.s32 s22, s19  }
0xba: {  	[tilespmem:s2], [sflag:$0x2] =	stream.linear.gather [hbm4b:s19+s2], $0x400, $0x38;
	[tilespmem:$0x8400] =	vst v63  }
0xbb: {  	_ =	swait.ge [sflag:s6], $0x400  }
0xbc: {  	[sflag:s6] =	ssyncset.done $0x0  }
0xbd: {  	[sflag:s6] =	ssyncadd.s32 $0xFFFFFC00  }
0xbe: {  	[tilespmem:s8], [sflag:$0x1] =	stream.indirect.gather [hbm4b:s4+s7], $0x20, s2, s7, $0xb8;
	[tilespmem:$0x8400] =	vst v63  }
0xbf: {  	_ = 	snop  }
0xc0: {  	[tilespmem:s9], [sflag:$0x1] =	stream.indirect.gather [hbm4b:s4+s7], $0x20, s7, s7, $0xb8;
	[tilespmem:$0x8400] =	vst v63  }
0xc1: {  	s26 =	rddreg [dreg:$0xd]  }
0xc2: {  	[tilespmem:s10], [sflag:$0x1] =	stream.indirect.gather [hbm4b:s4+s7], $0x20, s26, s7, $0xb8;
	[tilespmem:$0x8400] =	vst v63  }
0xc3: {  	s28 =	rddreg [dreg:$0xe]  }
0xc4: {  	[tilespmem:s11], [sflag:$0x1] =	stream.indirect.gather [hbm4b:s4+s7], $0x20, s28, s7, $0xb8;
	[tilespmem:$0x8400] =	vst v63  }
0xc5: {  	s29 =	rddreg [dreg:$0xf]  }
0xc6: {  	[tilespmem:s12], [sflag:$0x1] =	stream.indirect.gather [hbm4b:s4+s7], $0x20, s29, s7, $0xb8;
	[tilespmem:$0x8400] =	vst v63  }
0xc7: {  	s30 =	rddreg [dreg:$0x10]  }
0xc8: {  	[tilespmem:s13], [sflag:$0x1] =	stream.indirect.gather [hbm4b:s4+s7], $0x20, s30, s7, $0xb8;
	[tilespmem:$0x8400] =	vst v63  }
0xc9: {  	s31 =	rddreg [dreg:$0x11]  }
0xca: {  	[tilespmem:s14], [sflag:$0x1] =	stream.indirect.gather [hbm4b:s4+s7], $0x20, s31, s7, $0xb8;
	[tilespmem:$0x8400] =	vst v63  }
0xcb: {  	s22 =	rddreg [dreg:$0x12]  }
0xcc: {  	[tilespmem:s15], [sflag:$0x1] =	stream.indirect.gather [hbm4b:s4+s7], $0x20, s22, s7, $0xb8;
	[tilespmem:$0x8400] =	vst v63  }
0xcd: {  	_ =	swait.ge [sflag:s16], $0x1000  }
0xce: {  	[sflag:s16] =	ssyncset.done $0x0  }
0xcf: {  	[sflag:s16] =	ssyncadd.s32 $0xFFFFF000  }
0xd0: {  	_ =	swait.ge [sflag:s16], $0x1000  }
0xd1: {  	[sflag:s16] =	ssyncset.done $0x0  }
0xd2: {  	[sflag:s16] =	ssyncadd.s32 $0xFFFFF000  }
0xd3: {  	_ =	swait.ge [sflag:s16], $0x1000  }
0xd4: {  	[sflag:s16] =	ssyncset.done $0x0  }
0xd5: {  	[sflag:s16] =	ssyncadd.s32 $0xFFFFF000  }
0xd6: {  	_ =	swait.ge [sflag:s16], $0x1000  }
0xd7: {  	[sflag:s16] =	ssyncset.done $0x0  }
0xd8: {  	[sflag:s16] =	ssyncadd.s32 $0xFFFFF000  }
0xd9: {  	_ =	swait.ge [sflag:s16], $0x1000  }
0xda: {  	[sflag:s16] =	ssyncset.done $0x0  }
0xdb: {  	[sflag:s16] =	ssyncadd.s32 $0xFFFFF000  }
0xdc: {  	_ =	swait.ge [sflag:s16], $0x1000  }
0xdd: {  	[sflag:s16] =	ssyncset.done $0x0  }
0xde: {  	[sflag:s16] =	ssyncadd.s32 $0xFFFFF000  }
0xdf: {  	_ =	swait.ge [sflag:s16], $0x1000  }
0xe0: {  	[sflag:s16] =	ssyncset.done $0x0  }
0xe1: {  	[sflag:s16] =	ssyncadd.s32 $0xFFFFF000  }
0xe2: {  	s18 =	sshll.u32 s18, $0x13;
	s23 =	sshll.u32 s20, $0x9;
	_ =	swait.ge [sflag:s16], $0x1000  }
0xe3: {  	s18 =	sor.u32 s23, s18;
	[sflag:s16] =	ssyncset.done $0x0  }
0xe4: {  	s19 =	sadd.s32 s1, s18;
	[sflag:s16] =	ssyncadd.s32 $0xFFFFF000  }
0xe5: {  	[hbm4b:s19+s2] =	stream.linear.scatter [tilespmem:s8], [sflag:$0x2], $0x1000, $0x38;
	[tilespmem:$0x8400] =	vst v63  }
0xe6: {  	_ =	swait.ge [sflag:s6], $0x1000  }
0xe7: {  	s24 =	rddreg [dreg:$0x5];
	[sflag:s6] =	ssyncset.done $0x0  }
0xe8: {  	[sflag:s6] =	ssyncadd.s32 $0xFFFFF000;
	s19 =	sadd.s32 s18, s24  }
0xe9: {  	[hbm4b:s19+s2] =	stream.linear.scatter [tilespmem:s9], [sflag:$0x2], $0x1000, $0x38;
	[tilespmem:$0x8400] =	vst v63  }
0xea: {  	_ =	swait.ge [sflag:s6], $0x1000  }
0xeb: {  	s25 =	rddreg [dreg:$0x6];
	[sflag:s6] =	ssyncset.done $0x0  }
0xec: {  	[sflag:s6] =	ssyncadd.s32 $0xFFFFF000;
	s19 =	sadd.s32 s18, s25  }
0xed: {  	[hbm4b:s19+s2] =	stream.linear.scatter [tilespmem:s10], [sflag:$0x2], $0x1000, $0x38;
	[tilespmem:$0x8400] =	vst v63  }
0xee: {  	_ =	swait.ge [sflag:s6], $0x1000  }
0xef: {  	s26 =	rddreg [dreg:$0x7];
	[sflag:s6] =	ssyncset.done $0x0  }
0xf0: {  	[sflag:s6] =	ssyncadd.s32 $0xFFFFF000;
	s19 =	sadd.s32 s18, s26  }
0xf1: {  	[hbm4b:s19+s2] =	stream.linear.scatter [tilespmem:s11], [sflag:$0x2], $0x1000, $0x38;
	[tilespmem:$0x8400] =	vst v63  }
0xf2: {  	_ =	swait.ge [sflag:s6], $0x1000  }
0xf3: {  	s28 =	rddreg [dreg:$0x8];
	[sflag:s6] =	ssyncset.done $0x0  }
0xf4: {  	[sflag:s6] =	ssyncadd.s32 $0xFFFFF000;
	s19 =	sadd.s32 s18, s28  }
0xf5: {  	[hbm4b:s19+s2] =	stream.linear.scatter [tilespmem:s12], [sflag:$0x2], $0x1000, $0x38;
	[tilespmem:$0x8400] =	vst v63  }
0xf6: {  	_ =	swait.ge [sflag:s6], $0x1000  }
0xf7: {  	s29 =	rddreg [dreg:$0x9];
	[sflag:s6] =	ssyncset.done $0x0  }
0xf8: {  	[sflag:s6] =	ssyncadd.s32 $0xFFFFF000;
	s19 =	sadd.s32 s18, s29  }
0xf9: {  	[hbm4b:s19+s2] =	stream.linear.scatter [tilespmem:s13], [sflag:$0x2], $0x1000, $0x38;
	[tilespmem:$0x8400] =	vst v63  }
0xfa: {  	_ =	swait.ge [sflag:s6], $0x1000  }
0xfb: {  	s30 =	rddreg [dreg:$0xa];
	[sflag:s6] =	ssyncset.done $0x0  }
0xfc: {  	[sflag:s6] =	ssyncadd.s32 $0xFFFFF000;
	s19 =	sadd.s32 s18, s30  }
0xfd: {  	[hbm4b:s19+s2] =	stream.linear.scatter [tilespmem:s14], [sflag:$0x2], $0x1000, $0x38;
	[tilespmem:$0x8400] =	vst v63  }
0xfe: {  	s17 =	sadd.s32 $0x1, s17;
	_ =	swait.ge [sflag:s6], $0x1000  }
0xff: {  	p0 =	sne.s32 s17, s5;
	s31 =	rddreg [dreg:$0xb];
	[sflag:s6] =	ssyncset.done $0x0  }
.Ltmp1:
0x100: {  	[sflag:s6] =	ssyncadd.s32 $0xFFFFF000;
	s18 =	sadd.s32 s18, s31;
	(pc) =	sbr.rel @p0 .LBB2_1-.Ltmp1, $4  }
0x101: {  	[hbm4b:s18+s2] =	stream.linear.scatter [tilespmem:s15], [sflag:$0x2], $0x1000, $0x38;
	[tilespmem:$0x8400] =	vst v63  }
0x102: {  	_ =	swait.ge [sflag:s6], $0x1000  }
0x103: {  	[sflag:s6] =	ssyncset.done $0x0  }
0x104: {  	[sflag:s6] =	ssyncadd.s32 $0xFFFFF000  }
0x105: {  	_ =	sfence.sel $0x180000  }
0x106: {  	[bflag:$0x0] =	sbarrier.arrive $0xFFFF  }
0x107: {  	p0 =	sne.s32 s3, $0x0;
	_ =	strace $0x90000047  }
0x108: {  	s0 =	sadd.s32 @!p0 $0x100000, s0;
	[bflag:$0x2] =	sbarrier.arrive $0xFFFF  }
0x109: {  	[sflag:s0] =	ssyncadd.tile.s32 @!p0 $0x1;
	_ =	shalt  }
.Lfunc_end2:
_tile_overlayer_lowered:
.L_overlay_start_2:
0x10a: {  	(tag) =	ssettag $0x2  }
0x10b: {  	s0 =	rddreg [dreg:$0x0];
	s2 =	stileid.u32  }
0x10c: {  	s1 =	rddreg [dreg:$0x1];
	p0 =	sne.s32 s2, $0x0  }
0x10d: {  	s3 =	rddreg [dreg:$0x2];
	[bflag:$0x3] =	sbarrier.arrive $0xFFFF;
	s2 =	simm.s32 @!p0 $0x1C02  }
0x10e: {  	[timem:s3], [sflag:s2] =	dma.local @!p0 [hbm:s0], s1  }
0x10f: {  	s0 =	simm.s32 @!p0 $0x2  }
0x110: {  	_ =	swait.ge @!p0 [sflag:s0], s1  }
0x111: {  	s1 =	ssub.s32 @!p0 $0x0, s1;
	[sflag:s0] =	ssyncset.done @!p0 $0x0  }
0x112: {  	[sflag:s0] =	ssyncadd.s32 @!p0 s1  }
0x113: {  	[bflag:$0x3] =	sbarrier.arrive $0xFFFF  }
0x114: {  	_ =	shalt  }

// kernel: sparse-core-data-format-call.cloned.1.call-start
scs
called_computation_lowered:
.L_overlay_start_0:
0x0: {  	s2 =	sld [smem:$0x3FD9]  }
0x1: {  	s3 =	sld [smem:$0x3FFE];
	_ =	sdelay $0x1  }
0x2: {  	s1 =	srdreg.scid  }
0x3: {  	s0 =	sand.u32 $0x1, s1  }
0x4: {  	s18 =	sshll.u32 s0, $0xA;
	s2 =	sadd.s32 s3, s2  }
0x5: {  	s2 =	sadd.s32 s2, s18  }
0x6: {  	[smem:$0x3FC6] =	sst s2  }
0x7: {  	_ = 	snop  }
0x8: {  	s2 =	sld [smem:$0x3FD0];
	(tm) =	ssettm $0x1  }
0x9: {  	s19 =	sld [smem:$0x3FFB];
	_ =	sdelay $0x3  }
0xa: {  	_ =	strace s19  }
0xb: {  	s3 =	sld [smem:$0x3FFC];
	_ =	sdelay $0x3  }
0xc: {  	_ =	strace s3  }
0xd: {  	s3 =	sld [smem:$0x3FFD];
	_ =	sdelay $0x3  }
0xe: {  	_ =	strace s3  }
0xf: {  	_ =	strace $0x8FFFFFFF  }
0x10: {  	s20 =	sld [smem:$0x3FDB];
	_ =	sdelay $0x1  }
0x11: {  	s4 =	simm.s32 $_scs_section_size  }
0x12: {  	s5 =	simm.s32 $_size__tile_overlayer_lowered;
	s6 =	simm.s32 $_tile_overlayer_lowered  }
0x13: {  	s23 =	simm.s32 $0x1BFF;
	s22 =	sshll.u32 s6, $0x1;
	s3 =	sadd.s32 s4, s20  }
0x14: {  	s7 =	simm.s32 $0x0;
	s21 =	sshll.u32 s5, $0x1;
	s5 =	sadd.s32 s22, s3  }
0x15: {  	[timem:s7], [sflag:s23] =	dma.local [hbm:s5], s21  }
0x16: {  	_ =	swait.ge [sflag:s23], s21  }
0x17: {  	s4 =	ssub.s32 $0x0, s21;
	[sflag:s23] =	ssyncset.done $0x0  }
0x18: {  	[sflag:s23] =	ssyncadd.s32 s4;
	_ =	sdelay $0x1  }
0x19: {  	s24 =	simm.s32 $0x1B8B  }
0x1a: {  	_ =	swait.ge [sflag:s24], $0x1  }
0x1b: {  	[sflag:s24] =	ssyncset.done $0x0  }
0x1c: {  	s26 =	simm.s32 $0x1B8E;
	s25 =	sld [smem:$0x3FFE];
	[sflag:s24] =	ssyncadd.s32 $0xFFFFFFFF  }
0x1d: {  	s27 =	simm.s32 $execute0_lowered;
	[smem:$0x3FD2] =	sst s26  }
0x1e: {  	s5 =	sshll.u32 s27, $0x1;
	_ =	strace $0x80000049;
	[dreg:$0x1] =	wrdreg $0xFFFFFFFF  }
0x1f: {  	s28 =	simm.s32 $_size_execute0_lowered;
	s3 =	sadd.s32 s3, s5;
	[dreg:$0x0] =	wrdreg $0x0  }
0x20: {  	s5 =	sshll.u32 s28, $0x1;
	[dreg:$0x2] =	wrdreg s3  }
0x21: {  	[dreg:$0x3] =	wrdreg s5  }
0x22: {  	[dreg:$0x4] =	wrdreg $0xC0  }
0x23: {  	_ =	task [dreg:s7], $0x5FFFF  }
0x24: {  	[dreg:$0x1] =	wrdreg $0xFFFFFFFF  }
0x25: {  	[dreg:$0x0] =	wrdreg $0x60  }
0x26: {  	[dreg:$0x2] =	wrdreg s25  }
0x27: {  	[dreg:$0x3] =	wrdreg s2  }
0x28: {  	[dreg:$0x4] =	wrdreg $0x9  }
0x29: {  	_ =	task.clear_ibuf [dreg:s7], $0x5FFFF;
	_ =	strace $0x90000049  }
0x2a: {  	s29 =	simm.s32 $0x9;
	_ =	strace $0x8000004B  }
0x2b: {  	_ =	swait.ge [sflag:s29], $0x1  }
0x2c: {  	[sflag:s29] =	ssyncadd.s32 $0xFFFFFFFF  }
0x2d: {  	_ =	strace $0x9000004B  }
0x2e: {  	_ =	sfence  }
0x2f: {  	s30 =	sld [smem:$0x0];
	_ =	sdelay $0x2  }
0x30: {  	s31 =	sshll.u32 s1, $0xD;
	s1 =	sshrl.u32 s1, $0x2  }
0x31: {  	s3 =	sand.u32 $0x4000, s31;
	s1 =	sadd.s32 s1, s30  }
0x32: {  	s0 =	sor.u32 s3, s0;
	s1 =	sshll.u32 s1, $0x11  }
0x33: {  	s0 =	sor.u32 s1, s0  }
0x34: {  	s0 =	sadd.s32 $0x8F2B, s0  }
0x35: {  	[sflag:s0] =	ssyncadd.remote.s32 $0x1  }
0x36: {  	_ =	sfence.sel $0xFFFF  }
0x37: {  	[dreg:$0x0] =	wrdreg $0xFFFFFFFF;
	(pc) =	sbr.abs _section_cstart, $3  }
0x38: {  	[dreg:$0x1] =	wrdreg $0xFFFFFFFF  }
0x39: {  	_ =	task.clear_ibuf [dreg:s7], $0x2FFFF;
	_ =	strace $0x9FFFFFFF  }
0x3a: {  	(tm) =	ssettm $0x7FFFFFFF  }
0x3b: {  	_ =	shalt  }
tec
execute0_lowered:
.L_overlay_start_1:
0x0: {  	(tag) =	ssettag $0x1  }
0x1: {  	s0 =	srdreg.scid  }
0x2: {  	s1 =	sshll.u32 s0, $0x4  }
0x3: {  	s9 =	rddreg [dreg:$0x0];
	s0 =	stileid.u32;
	s1 =	sand.u32 $0x10, s1  }
0x4: {  	s3 =	rddreg [dreg:$0x1];
	s5 =	simm.s32 $0x1;
	s1 =	sor.u32 s0, s1  }
0x5: {  	s7 =	simm.s32 $0x2;
	s15 =	simm.s32 $0x0;
	s2 =	sshll.u32 s1, $0x7  }
0x6: {  	s11 =	simm.s32 $0x20000;
	s16 =	simm.s32 $0x0;
	s4 =	ssub.s32 $0x4000, s2  }
0x7: {  	s13 =	simm.s32 $0x0;
	s14 =	simm.s32 $0x0;
	s31 =	sand.u32 $0xF80, s4  }
0x8: {  	s8 =	sadd.s32 $0x80800, s9;
	s1 =	rddreg [dreg:$0x2];
	p0 =	sne.s32 s31, $0x0  }
.Ltmp0:
0x9: {  	s6 =	sshrl.u32 s4, $0xC;
	s5 =	simm.s32 @!p0 $0x0;
	(pc) =	sbr.rel .LBB1_1-.Ltmp0, $4  }
0xa: {  	_ =	strace $0x8000004A;
	s4 =	simm.s32 $0x1;
	s5 =	sadd.s32 s5, s6  }
0xb: {  	s12 =	smov.u32 s2;
	[sflag:s4] =	ssyncpa.u1 $0x0;
	s5 =	smul.u32 $0x32, s5  }
0xc: {  	[sflag:s7] =	ssyncpa.u1 $0x0;
	s7 =	sadd.s32 $0x40800, s9;
	p0 =	por $0x0, $0x0  }
0xd: {  	s6 =	sadd.s32 $0x800, s9;
	s9 =	sadd.s32 $0xC0800, s9;
	s10 =	sor.u32 $0x1, s5  }
.LBB1_7:
0xe: {  	s17 =	sadd.s32 $0x1000, s12  }
0xf: {  	s15 =	sadd.s32 $0x4, s13;
	s19 =	smov.u32 s13;
	p2 =	sgt.s32 s17, $0x3FFF  }
0x10: {  	s19 =	smov.u32 @p2 s15  }
0x11: {  	s17 =	smov.u32 @p2 s2;
	p2 =	sgt.s32 s19, $0xC7  }
0x12: {  	s19 =	simm.s32 @p2 $0x0;
	p2 =	sne.s32 s14, s10  }
.Ltmp1:
0x13: {  	p1 =	slt.u32 s14, $0x2;
	(pc) =	sbr.rel @!p2 .LBB1_8-.Ltmp1, $4  }
0x14: {  	s18 =	simm.s32 @!p1 $0x2  }
0x15: {  	s16 =	smov.u32 s13;
	p0 =	por !p0, !p0;
	_ =	swait.ge @!p1 [sflag:s18], $0x4000  }
0x16: {  	s15 =	smov.u32 s12;
	[sflag:s18] =	ssyncset.done @!p1 $0x0;
	s12 =	smov.u32 s17  }
0x17: {  	s14 =	sadd.s32 $0x1, s14;
	[sflag:s18] =	ssyncadd.s32 @!p1 $0xFFFFC000;
	s13 =	smov.u32 s19  }
.LBB1_1:
0x18: {  	p1 =	sge.u32 s14, s5  }
0x19: {  	s17 =	sxor.u32 @!p1 $0xFFFFFFFF, s14  }
0x1a: {  	s18 =	sshll.u32 @!p1 s13, $0x12;
	s19 =	sshll.u32 @!p1 s12, $0x4;
	s21 =	simm.s32 @!p1 $0x20  }
0x1b: {  	s17 =	sshll.u32 @!p1 s17, $0xE;
	s19 =	sand.u32 @!p1 $0x3FFF0, s19;
	s20 =	sadd.s32 @!p1 s6, s18  }
0x1c: {  	s22 =	simm.s32 @!p1 $0x80;
	s17 =	sand.u32 @!p1 $0x4000, s17;
	s20 =	sadd.s32 @!p1 s19, s20  }
0x1d: {  	[tilespmem:s17], [sflag:$0x1] =	stream.strided.gather @!p1 [hbm4b:s20+s21], $0x1000, s22, s21, $0x38;
	[tilespmem:$0x10100] =	vst v63  }
0x1e: {  	s20 =	sadd.s32 @!p1 s18, s7  }
0x1f: {  	s23 =	sor.u32 @!p1 $0x1000, s17;
	s20 =	sadd.s32 @!p1 s19, s20  }
0x20: {  	[tilespmem:s23], [sflag:$0x1] =	stream.strided.gather @!p1 [hbm4b:s20+s21], $0x1000, s22, s21, $0x38;
	[tilespmem:$0x10100] =	vst v63  }
0x21: {  	s20 =	sadd.s32 @!p1 s18, s8  }
0x22: {  	s23 =	sor.u32 @!p1 $0x2000, s17;
	s18 =	sadd.s32 @!p1 s18, s9;
	s20 =	sadd.s32 @!p1 s19, s20  }
0x23: {  	[tilespmem:s23], [sflag:$0x1] =	stream.strided.gather @!p1 [hbm4b:s20+s21], $0x1000, s22, s21, $0x38;
	[tilespmem:$0x10100] =	vst v63  }
0x24: {  	s31 =	sadd.s32 $0xFFFFFFFF, s14;
	s17 =	sor.u32 @!p1 $0x3000, s17;
	s18 =	sadd.s32 @!p1 s19, s18  }
0x25: {  	[tilespmem:s17], [sflag:$0x1] =	stream.strided.gather @!p1 [hbm4b:s18+s21], $0x1000, s22, s21, $0x38;
	[tilespmem:$0x10100] =	vst v63  }
0x26: {  	p1 =	sge.u32 s31, s5  }
.Ltmp2:
0x27: {  	_ = 	snop;
	(pc) =	sbr.rel @p1 .LBB1_7-.Ltmp2, $1  }
0x28: {  	_ =	sdelay $0x3  }
0x29: {  	s17 =	simm.s32 $0x1;
	s19 =	sand.u32 $0x1, s14  }
0x2a: {  	_ =	swait.ge [sflag:s4], $0x4000;
	s17 =	simm.s32 @!p0 $0x0;
	s20 =	smul.u32 $0x10200, s19  }
0x2b: {  	[sflag:s4] =	ssyncset.done $0x0;
	s18 =	smul.u32 $0x10200, s17  }
0x2c: {  	s17 =	sshll.u32 s17, $0xE;
	[sflag:s4] =	ssyncadd.s32 $0xFFFFC000  }
0x2d: {  	s19 =	sor.u32 $0x10, s17;
	s31 =	sshrl.u32 s20, $0x2;
	s18 =	sshrl.u32 s18, $0x2  }
0x2e: {  	s20 =	simm.s32 $0x0;
	s17 =	sor.u32 $0x8000, s31;
	s18 =	sor.u32 $0x8000, s18  }
.LBB1_3:
0x2f: {  	v1 =	vld [tilespmem:s19+$0x0]  }
0x30: {  	v0 =	vld [tilespmem:s19+$0xFFFFFFF0];
	_ =	sdelay $0x2  }
0x31: {  	s23 =	sadd.s32 $0x0, s18  }
0x32: {  	s21 =	simm.s32 $0x4;
	s22 =	sadd.s32 $0x20, s19;
	[tilespmem:s23+$0x810 ss:$0x81] =	vst.msk $0xffff, v1  }
.LBB1_4:
0x33: {  	v1 =	vld [tilespmem:s22+$0x0];
	p1 =	sne.s32 s21, $0x1FC;
	[tilespmem:s23+$0x0 ss:$0x81] =	vst.msk $0xffff, v0;
	s23 =	smov.u32 s21;
	s21 =	sadd.s32 $0x4, s21  }
.Ltmp3:
0x34: {  	v0 =	vld [tilespmem:s22+$0xFFFFFFF0];
	(pc) =	sbr.rel @p1 .LBB1_4-.Ltmp3, $4  }
0x35: {  	_ = 	snop  }
0x36: {  	s23 =	sshra.s32 s23, $0x2  }
0x37: {  	s23 =	sadd.s32 s23, s18  }
0x38: {  	s22 =	sadd.s32 $0x20, s22;
	[tilespmem:s23+$0x810 ss:$0x81] =	vst.msk $0xffff, v1  }
0x39: {  	s20 =	sadd.s32 $0x1, s20  }
0x3a: {  	p1 =	sne.s32 s20, $0x4  }
.Ltmp4:
0x3b: {  	_ = 	snop;
	(pc) =	sbr.rel @p1 .LBB1_3-.Ltmp4, $2  }
0x3c: {  	_ =	sdelay $0x2  }
0x3d: {  	[tilespmem:s23+$0x0 ss:$0x81] =	vst.msk $0xffff, v0;
	s18 =	sadd.s32 $0x1020, s18;
	s19 =	sadd.s32 $0x1000, s19  }
0x3e: {  	s18 =	sshll.u32 s15, $0x3;
	s19 =	sand.u32 $0x78, s15;
	s16 =	sshll.u32 s16, $0x10  }
.Ltmp5:
0x3f: {  	s30 =	sand.u32 $0xF800, s15;
	s18 =	sand.u32 $0x3C00, s18;
	(pc) =	sbr.rel .LBB1_7-.Ltmp5, $4  }
0x40: {  	s31 =	sand.u32 $0x7, s15;
	s16 =	sadd.s32 s3, s16;
	s18 =	sor.u32 s19, s18  }
0x41: {  	s15 =	sshll.u32 s31, $0x12;
	s16 =	sadd.s32 s30, s16;
	s18 =	sshrl.u32 s18, $0x3  }
0x42: {  	s15 =	sor.u32 $0x400, s15;
	s16 =	sadd.s32 s18, s16  }
0x43: {  	[hbm4b:s16+s15] =	stream.strided.scatter [tilespmem:s17], [sflag:$0x2], $0x4000, s11, s15, $0x20;
	[tilespmem:$0x10100] =	vst v63  }
.LBB1_8:
0x44: {  	_ =	sfence.sel $0x180000  }
0x45: {  	s2 =	simm.s32 $0x1;
	[bflag:$0x0] =	sbarrier.arrive $0xFFFF  }
0x46: {  	s31 =	simm.s32 $0x2;
	[sflag:s2] =	ssyncpa.u1 $0x1  }
0x47: {  	[sflag:s31] =	ssyncpa.u1 $0x1  }
0x48: {  	p0 =	sne.s32 s0, $0x0;
	_ =	strace $0x9000004A  }
0x49: {  	s0 =	sadd.s32 @!p0 $0x100000, s1;
	[bflag:$0x2] =	sbarrier.arrive $0xFFFF  }
0x4a: {  	[sflag:s0] =	ssyncadd.tile.s32 @!p0 $0x1;
	_ =	shalt  }
.Lfunc_end1:
_tile_overlayer_lowered:
.L_overlay_start_2:
0x4b: {  	(tag) =	ssettag $0x2  }
0x4c: {  	s0 =	rddreg [dreg:$0x0];
	s2 =	stileid.u32  }
0x4d: {  	s1 =	rddreg [dreg:$0x1];
	p0 =	sne.s32 s2, $0x0  }
0x4e: {  	s3 =	rddreg [dreg:$0x2];
	[bflag:$0x3] =	sbarrier.arrive $0xFFFF;
	s2 =	simm.s32 @!p0 $0x1C01  }
0x4f: {  	[timem:s3], [sflag:s2] =	dma.local @!p0 [hbm:s0], s1  }
0x50: {  	s0 =	simm.s32 @!p0 $0x1  }
0x51: {  	_ =	swait.ge @!p0 [sflag:s0], s1  }
0x52: {  	s1 =	ssub.s32 @!p0 $0x0, s1;
	[sflag:s0] =	ssyncset.done @!p0 $0x0  }
0x53: {  	[sflag:s0] =	ssyncadd.s32 @!p0 s1  }
0x54: {  	[bflag:$0x3] =	sbarrier.arrive $0xFFFF  }
0x55: {  	_ =	shalt  }

</sc_bundles>
